<compile_context>
chip_gen: v7x
topology: tpu7x:2x2x1
jax: 0.10.2.dev20260603
libtpu: 0.0.44.dev20260713+nightly
codegen_flags: <defaults>
</compile_context>

<pallas_src>
import jax
import jax.numpy as jnp
from jax import lax
from jax.experimental import pallas as pl
from jax.experimental.pallas import tpu as pltpu
from jax.experimental.pallas import tpu_sc as plsc

_B = 4
_N = 8192
_KEEP = 4096
_BANDS = 128
_NV = _N // 16


def _threefry_bits(flat_t, seed):
    u32 = jnp.uint32
    ks0 = u32(0)
    ks1 = u32(seed)
    ks2 = u32(0 ^ seed ^ 0x1BD11BDA)

    def rotl(x, r):
        return (x << u32(r)) | (x >> u32(32 - r))

    x0 = jnp.zeros_like(flat_t) + ks0
    x1 = flat_t + ks1
    rots = ((13, 15, 26, 6), (17, 29, 16, 24))
    inject = ((ks1, ks2, 1), (ks2, ks0, 2), (ks0, ks1, 3), (ks1, ks2, 4), (ks2, ks0, 5))
    for g in range(5):
        for r in rots[g % 2]:
            x0 = x0 + x1
            x1 = rotl(x1, r)
            x1 = x1 ^ x0
        a, b, c = inject[g]
        x0 = x0 + a
        x1 = x1 + b + u32(c)
    return x0 ^ x1


def _prng_body(cc_ref):
    row = lax.broadcasted_iota(jnp.uint32, (_B, _N), 0)
    col = lax.broadcasted_iota(jnp.uint32, (_B, _N), 1)
    bits = _threefry_bits(row * jnp.uint32(_N) + col, 1234)
    m = bits >> jnp.uint32(9)
    cc_ref[...] = (m << jnp.uint32(9)) | (col >> jnp.uint32(4))


_prng_call = pl.pallas_call(
    _prng_body,
    out_shape=jax.ShapeDtypeStruct((_B, _N), jnp.uint32),
)


_NPART = 2


def _sc_sort_body(
    cc_hbm, zeros_hbm, pcc_hbm, pidx_hbm,
    cc_v, cnt, gcnt, pcc, pidx, s0, s1, s2,
):
    w = lax.axis_index("s")
    _NH = _NV // _NPART

    @pl.when((lax.axis_index("c") == 0) & (w < _B))
    def _():
        c0 = pltpu.async_copy(cc_hbm.at[w], cc_v, s0)
        c1 = pltpu.async_copy(zeros_hbm, cnt, s1)
        c2 = pltpu.async_copy(zeros_hbm.at[0, pl.ds(0, _NV)], gcnt, s2)
        c0.wait()
        c1.wait()
        c2.wait()

        occ_cal, _unused = plsc.scan_count(jnp.zeros((16,), jnp.int32))
        base0 = jnp.min(occ_cal)
        lane = lax.broadcasted_iota(jnp.int32, (16,), 0)

        for h in range(_NPART):
            hsplat = jnp.full((16,), h, jnp.int32)

            @plsc.parallel_loop(h * _NH, (h + 1) * _NH, unroll=8)
            def _hist(i, hsplat=hsplat):
                k = cc_v[pl.ds(i * 16, 16)]
                d = (k >> jnp.uint32(19)).astype(jnp.int32)
                ones = jnp.full((16,), 1, jnp.int32)
                plsc.addupdate_scatter(cnt, [hsplat, d], ones)
                plsc.addupdate_scatter(gcnt, [d >> 4], ones)

        def gscan_body(i, carry):
            v = gcnt[pl.ds(i * 16, 16)]
            s = jnp.sum(v)
            gcnt[pl.ds(i * 16, 16)] = carry + plsc.cumsum(v) - v
            return carry + s

        lax.fori_loop(0, _NV // 16, gscan_body, jnp.int32(0))

        @plsc.parallel_loop(0, _NV, unroll=2)
        def _bprefix(i):
            sl = pl.ds(i * 16, 16)
            vs = [cnt[h, sl] for h in range(_NPART)]
            tot = vs[0]
            for h in range(1, _NPART):
                tot = tot + vs[h]
            gp = plsc.load_gather(gcnt, [jnp.full((16,), i, jnp.int32)])
            cur = gp + plsc.cumsum(tot) - tot
            for h in range(_NPART):
                cnt[h, sl] = cur
                cur = cur + vs[h]

        def perm_body(i, c):
            for h in range(_NPART):
                j = i + h * _NH
                hsplat = jnp.full((16,), h, jnp.int32)
                k = cc_v[pl.ds(j * 16, 16)]
                d = (k >> jnp.uint32(19)).astype(jnp.int32)
                occ, last = plsc.scan_count(d)
                occ0 = occ - base0
                pos = plsc.load_gather(cnt, [hsplat, d]) + occ0
                plsc.store_scatter(pcc, [pos], plsc.bitcast(k, jnp.int32))
                plsc.store_scatter(pidx, [pos], j * 16 + lane)
                plsc.addupdate_scatter(cnt, [hsplat, d], occ0 + 1, mask=last)
            return c

        lax.fori_loop(0, _NH, perm_body, jnp.int32(0))

        o0 = pltpu.async_copy(pcc, pcc_hbm.at[w], s0)
        o1 = pltpu.async_copy(pidx, pidx_hbm.at[w], s1)
        o0.wait()
        o1.wait()


_sc_sort = pl.kernel(
    _sc_sort_body,
    out_type=(
        jax.ShapeDtypeStruct((_B, _N), jnp.int32),
        jax.ShapeDtypeStruct((_B, _N), jnp.int32),
    ),
    mesh=plsc.VectorSubcoreMesh(core_axis_name="c", subcore_axis_name="s", num_cores=1),
    scratch_types=[
        pltpu.VMEM((_N,), jnp.uint32),
        pltpu.VMEM((_NPART, _N), jnp.int32),
        pltpu.VMEM((_NV,), jnp.int32),
        pltpu.VMEM((_N,), jnp.int32),
        pltpu.VMEM((_N,), jnp.int32),
        pltpu.SemaphoreType.DMA,
        pltpu.SemaphoreType.DMA,
        pltpu.SemaphoreType.DMA,
    ],
    compiler_params=pltpu.CompilerParams(needs_layout_passes=False),
)


def _sort16(k, v, lanes):
    for kk in (1, 2, 3, 4):
        desc = jnp.zeros(k.shape, jnp.bool_) if kk == 4 else ((lanes >> kk) & 1) == 1
        for j in reversed(range(kk)):
            d = 1 << j
            lower = (lanes & d) == 0
            pk = jnp.where(lower, jnp.roll(k, -d, axis=2), jnp.roll(k, d, axis=2))
            pv = jnp.where(lower, jnp.roll(v, -d, axis=2), jnp.roll(v, d, axis=2))
            keep_min = lower != desc
            take = (keep_min & (pk < k)) | (~keep_min & (pk > k))
            k = jnp.where(take, pk, k)
            v = jnp.where(take, pv, v)
    return k, v


def _finish_body(pcc_ref, pidx_ref, cc_ref, bm_ref, keep_ref, mask_ref, spec_ref):
    shp = (_B, _N // 128, 128)
    lanes = lax.broadcasted_iota(jnp.int32, shp, 2)
    subl = lax.broadcasted_iota(jnp.int32, shp, 1)
    k = lax.bitcast_convert_type(pcc_ref[...], jnp.uint32)
    v = pidx_ref[...]

    k, v = _sort16(k, v, lanes)

    def fwd(x):
        a = jnp.roll(x, -8, axis=2)
        b = jnp.roll(a, -1, axis=1)
        return jnp.where(lanes < 120, a, b)

    def bwd(x):
        c = jnp.roll(x, 8, axis=2)
        dd = jnp.roll(c, 1, axis=1)
        return jnp.where(lanes >= 8, c, dd)

    k2, v2 = fwd(k), fwd(v)
    k2s, v2s = _sort16(k2, v2, lanes)
    skip = (subl == _N // 128 - 1) & (lanes >= 112)
    k2 = jnp.where(skip, k2, k2s)
    v2 = jnp.where(skip, v2, v2s)
    k, v = bwd(k2), bwd(v2)

    thr = jnp.broadcast_to(k[:, _KEEP // 128 : _KEEP // 128 + 1, 0:1], shp)
    cc = lax.bitcast_convert_type(cc_ref[...], jnp.uint32)
    mask_ref[...] = cc >= thr
    keep_ref[...] = v[:, : _KEEP // 128, :]

    row2 = lax.broadcasted_iota(jnp.uint32, (_B, _BANDS), 0)
    col2 = lax.broadcasted_iota(jnp.uint32, (_B, _BANDS), 1)
    bits2 = _threefry_bits(row2 * jnp.uint32(_BANDS) + col2, 1235)
    rnd = (bits2 >> jnp.uint32(9)) > jnp.uint32(1 << 22)
    spec_ref[...] = rnd | jnp.logical_not(bm_ref[...])


_finish_call = pl.pallas_call(
    _finish_body,
    out_shape=(
        jax.ShapeDtypeStruct((_B, _KEEP // 128, 128), jnp.int32),
        jax.ShapeDtypeStruct((_B, _N // 128, 128), jnp.bool_),
        jax.ShapeDtypeStruct((_B, _BANDS), jnp.bool_),
    ),
)


def kernel(tokens, band_mask):
    del tokens
    cc = _prng_call()
    zeros = jnp.zeros((_NPART, _N), jnp.int32)
    pcc, pidx = _sc_sort(cc, zeros)
    cc_i = lax.bitcast_convert_type(cc, jnp.int32)
    r3 = lambda x: x.reshape(_B, _N // 128, 128)
    keep3, mask3, spec = _finish_call(r3(pcc), r3(pidx), r3(cc_i), band_mask)
    return mask3.reshape(_B, _N), keep3.reshape(_B, _KEEP), spec

# --- scband reference (transcript-rebuilt; emitter-appended) ---
"""Pipeline reference for scband-masking-helper-62302795596746 (READ-ONLY COPY).

The authoritative reference and input builder live on the scoring server;
editing this copy changes nothing except your own understanding.
"""

import jax, jax.numpy as jnp
import numpy as np

def setup_inputs(seed: int = 0):
    key = jax.random.key(seed)
    k1, k2 = jax.random.split(key)
    tokens = jax.random.normal(k1, (4, 8192, 768), dtype=jnp.float32)
    band_mask = jax.random.randint(k2, (4, 128), 0, 2).astype(jnp.bool_)
    return {"tokens": tokens, "band_mask": band_mask}

def reference(tokens, band_mask):
    spatial_mask_ratio = 0.5
    spectral_mask_ratio = 0.5
    mask_seed = 1234
    B, N, _ = tokens.shape
    keep = max(1, int((1.0 - spatial_mask_ratio) * N))
    # torch Generator seeded with mask_seed, then seed+1 for the second call;
    # emulate with two derived jax keys
    ka = jax.random.key(mask_seed)
    kb = jax.random.key(mask_seed + 1)
    # spatial_mask: random scores -> argsort -> keep first `keep` indices
    r = jax.random.uniform(ka, (B, N), dtype=jnp.float32)
    idx = jnp.argsort(r, axis=1)
    keep_idx = idx[:, :keep]
    mask = jnp.ones((B, N), dtype=jnp.bool_)
    mask = mask.at[jnp.arange(B)[:, None], keep_idx].set(False)
    # spectral_mask
    bands = band_mask.shape[1]
    probs = jax.random.uniform(kb, (B, bands), dtype=jnp.float32)
    spec = probs > (1.0 - spectral_mask_ratio)
    spec = jnp.where(band_mask, spec, jnp.ones_like(spec))
    return (mask, keep_idx, spec)

if __name__ == "__main__":
    import jax
    _d = setup_inputs()
    print(jax.jit(kernel)(*tuple(_d.values())))

</pallas_src>

<mosaic_0001>
#map = affine_map<(d0, d1) -> (0, 0)>
module attributes {stable_mosaic.version = 14 : i64} {
  func.func @_sc_sort_body(%arg0: i32, %arg1: i32, %arg2: memref<4x8192xi32, #tpu.memory_space<hbm>>, %arg3: memref<2x8192xi32, #tpu.memory_space<hbm>>, %arg4: memref<4x8192xi32, #tpu.memory_space<hbm>>, %arg5: memref<4x8192xi32, #tpu.memory_space<hbm>>, %arg6: memref<8192xi32, #tpu.memory_space<vmem>>, %arg7: memref<2x8192xi32, #tpu.memory_space<vmem>>, %arg8: memref<512xi32, #tpu.memory_space<vmem>>, %arg9: memref<8192xi32, #tpu.memory_space<vmem>>, %arg10: memref<8192xi32, #tpu.memory_space<vmem>>, %arg11: memref<!tpu.dma_semaphore, #tpu.memory_space<semaphore_mem>>, %arg12: memref<!tpu.dma_semaphore, #tpu.memory_space<semaphore_mem>>, %arg13: memref<!tpu.dma_semaphore, #tpu.memory_space<semaphore_mem>>) attributes {dimension_semantics = [#tpu.dimension_semantics<core_parallel>, #tpu.dimension_semantics<subcore_parallel>], iteration_bounds = array<i64: 1, 16>, scalar_prefetch = 0 : i64, scratch_operands = 8 : i64, tpu.core_type = #tpu.core_type<sc_vector_subcore>, window_params = [{transform_indices = #map}, {transform_indices = #map}, {transform_indices = #map}, {transform_indices = #map}]} {
    %eq3A = arith.constant 0 : i32
    %eq3A_0 = arith.cmpi eq, %arg0, %eq3A : i32
    %lt3A = arith.constant 4 : i32
    %lt3A_1 = arith.cmpi slt, %arg1, %lt3A : i32
    %and3A = arith.andi %eq3A_0, %lt3A_1 : i1
    %convert_element_type3A = arith.extui %and3A : i1 to i32
    %cond3A = arith.constant 0 : i32
    %cond3A_2 = arith.cmpi ne, %convert_element_type3A, %cond3A : i32
    scf.if %cond3A_2 {
      %dma_start3A = arith.constant 0 : i32
      %dma_start3A_3 = tpu.memref_slice %arg2[%arg1, %dma_start3A] : memref<4x8192xi32, #tpu.memory_space<hbm>> -> memref<1x8192xi32, #tpu.memory_space<hbm>>
      %dma_start3A_4 = tpu.memref_squeeze %dma_start3A_3 : memref<1x8192xi32, #tpu.memory_space<hbm>> -> memref<8192xi32, #tpu.memory_space<hbm>>
      %dma_start3A_5 = arith.constant 0 : i32
      %dma_start3A_6 = tpu.memref_slice %arg2[%arg1, %dma_start3A_5] : memref<4x8192xi32, #tpu.memory_space<hbm>> -> memref<1x8192xi32, #tpu.memory_space<hbm>>
      %dma_start3A_7 = tpu.memref_squeeze %dma_start3A_6 : memref<1x8192xi32, #tpu.memory_space<hbm>> -> memref<8192xi32, #tpu.memory_space<hbm>>
      tpu.enqueue_dma source(%dma_start3A_7 : memref<8192xi32, #tpu.memory_space<hbm>>) target(%arg6 : memref<8192xi32, #tpu.memory_space<vmem>>) target_semaphore(%arg11 : memref<!tpu.dma_semaphore, #tpu.memory_space<semaphore_mem>>)
      tpu.enqueue_dma source(%arg3 : memref<2x8192xi32, #tpu.memory_space<hbm>>) target(%arg7 : memref<2x8192xi32, #tpu.memory_space<vmem>>) target_semaphore(%arg12 : memref<!tpu.dma_semaphore, #tpu.memory_space<semaphore_mem>>)
      %dma_start3A_8 = arith.constant 0 : i32
      %dma_start3A_9 = arith.constant 0 : i32
      %dma_start3A_10 = tpu.memref_slice %arg3[%dma_start3A_8, %dma_start3A_9] : memref<2x8192xi32, #tpu.memory_space<hbm>> -> memref<1x512xi32, #tpu.memory_space<hbm>>
      %dma_start3A_11 = tpu.memref_squeeze %dma_start3A_10 : memref<1x512xi32, #tpu.memory_space<hbm>> -> memref<512xi32, #tpu.memory_space<hbm>>
      %dma_start3A_12 = arith.constant 0 : i32
      %dma_start3A_13 = tpu.memref_slice %arg3[%dma_start3A_8, %dma_start3A_12] : memref<2x8192xi32, #tpu.memory_space<hbm>> -> memref<1x512xi32, #tpu.memory_space<hbm>>
      %dma_start3A_14 = tpu.memref_squeeze %dma_start3A_13 : memref<1x512xi32, #tpu.memory_space<hbm>> -> memref<512xi32, #tpu.memory_space<hbm>>
      tpu.enqueue_dma source(%dma_start3A_14 : memref<512xi32, #tpu.memory_space<hbm>>) target(%arg8 : memref<512xi32, #tpu.memory_space<vmem>>) target_semaphore(%arg13 : memref<!tpu.dma_semaphore, #tpu.memory_space<semaphore_mem>>)
      %dma_wait3A = arith.constant 0 : i32
      %dma_wait3A_15 = tpu.memref_slice %arg2[%arg1, %dma_wait3A] : memref<4x8192xi32, #tpu.memory_space<hbm>> -> memref<1x8192xi32, #tpu.memory_space<hbm>>
      %dma_wait3A_16 = tpu.memref_squeeze %dma_wait3A_15 : memref<1x8192xi32, #tpu.memory_space<hbm>> -> memref<8192xi32, #tpu.memory_space<hbm>>
      %dma_wait3A_17 = arith.constant 0 : i32
      %dma_wait3A_18 = tpu.memref_slice %arg2[%arg1, %dma_wait3A_17] : memref<4x8192xi32, #tpu.memory_space<hbm>> -> memref<1x8192xi32, #tpu.memory_space<hbm>>
      %dma_wait3A_19 = tpu.memref_squeeze %dma_wait3A_18 : memref<1x8192xi32, #tpu.memory_space<hbm>> -> memref<8192xi32, #tpu.memory_space<hbm>>
      tpu.wait_dma2 semaphore(%arg11 : memref<!tpu.dma_semaphore, #tpu.memory_space<semaphore_mem>>) src(%dma_wait3A_19 : memref<8192xi32, #tpu.memory_space<hbm>>) dst(%arg6 : memref<8192xi32, #tpu.memory_space<vmem>>)
      tpu.wait_dma2 semaphore(%arg12 : memref<!tpu.dma_semaphore, #tpu.memory_space<semaphore_mem>>) src(%arg3 : memref<2x8192xi32, #tpu.memory_space<hbm>>) dst(%arg7 : memref<2x8192xi32, #tpu.memory_space<vmem>>)
      %dma_wait3A_20 = arith.constant 0 : i32
      %dma_wait3A_21 = arith.constant 0 : i32
      %dma_wait3A_22 = tpu.memref_slice %arg3[%dma_wait3A_20, %dma_wait3A_21] : memref<2x8192xi32, #tpu.memory_space<hbm>> -> memref<1x512xi32, #tpu.memory_space<hbm>>
      %dma_wait3A_23 = tpu.memref_squeeze %dma_wait3A_22 : memref<1x512xi32, #tpu.memory_space<hbm>> -> memref<512xi32, #tpu.memory_space<hbm>>
      %dma_wait3A_24 = arith.constant 0 : i32
      %dma_wait3A_25 = tpu.memref_slice %arg3[%dma_wait3A_20, %dma_wait3A_24] : memref<2x8192xi32, #tpu.memory_space<hbm>> -> memref<1x512xi32, #tpu.memory_space<hbm>>
      %dma_wait3A_26 = tpu.memref_squeeze %dma_wait3A_25 : memref<1x512xi32, #tpu.memory_space<hbm>> -> memref<512xi32, #tpu.memory_space<hbm>>
      tpu.wait_dma2 semaphore(%arg13 : memref<!tpu.dma_semaphore, #tpu.memory_space<semaphore_mem>>) src(%dma_wait3A_26 : memref<512xi32, #tpu.memory_space<hbm>>) dst(%arg8 : memref<512xi32, #tpu.memory_space<vmem>>)
      %broadcast_in_dim3A = arith.constant 0 : i32
      %broadcast_in_dim3A_27 = vector.broadcast %broadcast_in_dim3A : i32 to vector<16xi32>
      %broadcast_in_dim3A_28 = arith.constant true
      %broadcast_in_dim3A_29 = vector.broadcast %broadcast_in_dim3A_28 : i1 to vector<16xi1>
      %unique3A, %unique3A_30 = tpu.scan_count mask(%broadcast_in_dim3A_29 : vector<16xi1>) value(%broadcast_in_dim3A_27 : vector<16xi32>) : vector<16xi1>, vector<16xi32>
      %reduce_min3A = arith.constant true
      %reduce_min3A_31 = vector.broadcast %reduce_min3A : i1 to vector<16xi1>
      %reduce_min3A_32 = arith.constant -2147483648 : i32
      %reduce_min3A_33 = vector.broadcast %reduce_min3A_32 : i32 to vector<16xi32>
      %reduce_min3A_34 = arith.xori %unique3A_30, %reduce_min3A_33 : vector<16xi32>
      %reduce_min3A_35 = tpu.scan <min>, %reduce_min3A_34 masked %reduce_min3A_31 : vector<16xi32>, vector<16xi1> -> vector<16xi32>
      %reduce_min3A_36 = arith.xori %reduce_min3A_35, %reduce_min3A_33 : vector<16xi32>
      %reduce_min3A_37 = vector.extract %reduce_min3A_36[15] : i32 from vector<16xi32>
      %iota3A = tpu.iota {dimensions = array<i32: 0>} : vector<16xi32>
      %broadcast_in_dim3A_38 = arith.constant 0 : i32
      %broadcast_in_dim3A_39 = vector.broadcast %broadcast_in_dim3A_38 : i32 to vector<16xi32>
      %parallel_loop3A = arith.constant 0 : i32
      %parallel_loop3A_40 = arith.constant 256 : i32
      %parallel_loop3A_41 = arith.constant 1 : i32
      scf.for %parallel_loop3A_86 = %parallel_loop3A to %parallel_loop3A_40 step %parallel_loop3A_41  : i32 {
        %parallel_loop3A_87 = arith.constant 16 : i32
        %parallel_loop3A_88 = arith.muli %parallel_loop3A_86, %parallel_loop3A_87 : i32
        %parallel_loop3A_89 = arith.index_cast %parallel_loop3A_88 : i32 to index
        %parallel_loop3A_90 = tpu.vector_load %arg6[%parallel_loop3A_89] {strides = array<i32>} : memref<8192xi32, #tpu.memory_space<vmem>>, vector<16xi32>,
        %parallel_loop3A_91 = arith.constant 19 : i32
        %parallel_loop3A_92 = vector.broadcast %parallel_loop3A_91 : i32 to vector<16xi32>
        %parallel_loop3A_93 = arith.shrui %parallel_loop3A_90, %parallel_loop3A_92 : vector<16xi32>
        %parallel_loop3A_94 = arith.constant 1 : i32
        %parallel_loop3A_95 = vector.broadcast %parallel_loop3A_94 : i32 to vector<16xi32>
        tpu.vector_store_idx %arg7[%broadcast_in_dim3A_39, %parallel_loop3A_93], %parallel_loop3A_95 {add = true} : memref<2x8192xi32, #tpu.memory_space<vmem>>[vector<16xi32>, vector<16xi32>], vector<16xi32>,
        %parallel_loop3A_96 = arith.constant 4 : i32
        %parallel_loop3A_97 = vector.broadcast %parallel_loop3A_96 : i32 to vector<16xi32>
        %parallel_loop3A_98 = arith.shrsi %parallel_loop3A_93, %parallel_loop3A_97 : vector<16xi32>
        tpu.vector_store_idx %arg8[%parallel_loop3A_98], %parallel_loop3A_95 {add = true} : memref<512xi32, #tpu.memory_space<vmem>>[vector<16xi32>], vector<16xi32>,
      } {sc.loop_unroll_factor = 8 : i64, sc.parallel_access}
      %broadcast_in_dim3A_42 = arith.constant 1 : i32
      %broadcast_in_dim3A_43 = vector.broadcast %broadcast_in_dim3A_42 : i32 to vector<16xi32>
      %parallel_loop3A_44 = arith.constant 256 : i32
      %parallel_loop3A_45 = arith.constant 512 : i32
      %parallel_loop3A_46 = arith.constant 1 : i32
      scf.for %parallel_loop3A_86 = %parallel_loop3A_44 to %parallel_loop3A_45 step %parallel_loop3A_46  : i32 {
        %parallel_loop3A_87 = arith.constant 16 : i32
        %parallel_loop3A_88 = arith.muli %parallel_loop3A_86, %parallel_loop3A_87 : i32
        %parallel_loop3A_89 = arith.index_cast %parallel_loop3A_88 : i32 to index
        %parallel_loop3A_90 = tpu.vector_load %arg6[%parallel_loop3A_89] {strides = array<i32>} : memref<8192xi32, #tpu.memory_space<vmem>>, vector<16xi32>,
        %parallel_loop3A_91 = arith.constant 19 : i32
        %parallel_loop3A_92 = vector.broadcast %parallel_loop3A_91 : i32 to vector<16xi32>
        %parallel_loop3A_93 = arith.shrui %parallel_loop3A_90, %parallel_loop3A_92 : vector<16xi32>
        %parallel_loop3A_94 = arith.constant 1 : i32
        %parallel_loop3A_95 = vector.broadcast %parallel_loop3A_94 : i32 to vector<16xi32>
        tpu.vector_store_idx %arg7[%broadcast_in_dim3A_43, %parallel_loop3A_93], %parallel_loop3A_95 {add = true} : memref<2x8192xi32, #tpu.memory_space<vmem>>[vector<16xi32>, vector<16xi32>], vector<16xi32>,
        %parallel_loop3A_96 = arith.constant 4 : i32
        %parallel_loop3A_97 = vector.broadcast %parallel_loop3A_96 : i32 to vector<16xi32>
        %parallel_loop3A_98 = arith.shrsi %parallel_loop3A_93, %parallel_loop3A_97 : vector<16xi32>
        tpu.vector_store_idx %arg8[%parallel_loop3A_98], %parallel_loop3A_95 {add = true} : memref<512xi32, #tpu.memory_space<vmem>>[vector<16xi32>], vector<16xi32>,
      } {sc.loop_unroll_factor = 8 : i64, sc.parallel_access}
      %scan3A = arith.constant 0 : i32
      %scan3A_47 = arith.constant 0 : i32
      %scan3A_48 = arith.constant 32 : i32
      %scan3A_49 = arith.addi %scan3A_47, %scan3A_48 : i32
      %scan3A_50 = arith.constant 1 : i32
      %scan3A_51 = scf.for %scan3A_86 = %scan3A_47 to %scan3A_49 step %scan3A_50 iter_args(%scan3A_87 = %scan3A) -> (i32)  : i32 {
        %mul3A = arith.constant 16 : i32
        %mul3A_88 = arith.muli %scan3A_86, %mul3A : i32
        %get3A = arith.index_cast %mul3A_88 : i32 to index
        %get3A_89 = tpu.vector_load %arg8[%get3A] {strides = array<i32>} : memref<512xi32, #tpu.memory_space<vmem>>, vector<16xi32>,
        %reduce_sum3A = arith.constant true
        %reduce_sum3A_90 = vector.broadcast %reduce_sum3A : i1 to vector<16xi1>
        %reduce_sum3A_91 = tpu.scan <sum>, %get3A_89 masked %reduce_sum3A_90 : vector<16xi32>, vector<16xi1> -> vector<16xi32>
        %reduce_sum3A_92 = vector.extract %reduce_sum3A_91[15] : i32 from vector<16xi32>
        %broadcast_in_dim3A_93 = arith.constant true
        %broadcast_in_dim3A_94 = vector.broadcast %broadcast_in_dim3A_93 : i1 to vector<16xi1>
        %masked_cumsum3A = tpu.scan <sum>, %get3A_89 masked %broadcast_in_dim3A_94 : vector<16xi32>, vector<16xi1> -> vector<16xi32>
        %add3A = vector.broadcast %scan3A_87 : i32 to vector<16xi32>
        %add3A_95 = arith.addi %add3A, %masked_cumsum3A : vector<16xi32>
        %sub3A = arith.subi %add3A_95, %get3A_89 : vector<16xi32>
        %mul3A_96 = arith.constant 16 : i32
        %mul3A_97 = arith.muli %scan3A_86, %mul3A_96 : i32
        %swap3A = arith.index_cast %mul3A_97 : i32 to index
        %swap3A_98 = tpu.vector_load %arg8[%swap3A] {strides = array<i32>} : memref<512xi32, #tpu.memory_space<vmem>>, vector<16xi32>,
        tpu.vector_store %arg8[%swap3A], %sub3A {strides = array<i32>} : memref<512xi32, #tpu.memory_space<vmem>>, vector<16xi32>,
        %add3A_99 = arith.addi %scan3A_87, %reduce_sum3A_92 : i32
        scf.yield %add3A_99 : i32
      }
      %scan3A_52 = arith.constant 32 : i32
      %parallel_loop3A_53 = arith.constant 0 : i32
      %parallel_loop3A_54 = arith.constant 512 : i32
      %parallel_loop3A_55 = arith.constant 1 : i32
      scf.for %parallel_loop3A_86 = %parallel_loop3A_53 to %parallel_loop3A_54 step %parallel_loop3A_55  : i32 {
        %parallel_loop3A_87 = arith.constant 16 : i32
        %parallel_loop3A_88 = arith.muli %parallel_loop3A_86, %parallel_loop3A_87 : i32
        %parallel_loop3A_89 = arith.constant 0 : i32
        %parallel_loop3A_90 = arith.index_cast %parallel_loop3A_89 : i32 to index
        %parallel_loop3A_91 = arith.index_cast %parallel_loop3A_88 : i32 to index
        %parallel_loop3A_92 = tpu.vector_load %arg7[%parallel_loop3A_90, %parallel_loop3A_91] {strides = array<i32>} : memref<2x8192xi32, #tpu.memory_space<vmem>>, vector<16xi32>,
        %parallel_loop3A_93 = arith.constant 1 : i32
        %parallel_loop3A_94 = arith.index_cast %parallel_loop3A_93 : i32 to index
        %parallel_loop3A_95 = arith.index_cast %parallel_loop3A_88 : i32 to index
        %parallel_loop3A_96 = tpu.vector_load %arg7[%parallel_loop3A_94, %parallel_loop3A_95] {strides = array<i32>} : memref<2x8192xi32, #tpu.memory_space<vmem>>, vector<16xi32>,
        %parallel_loop3A_97 = arith.addi %parallel_loop3A_92, %parallel_loop3A_96 : vector<16xi32>
        %parallel_loop3A_98 = vector.broadcast %parallel_loop3A_86 : i32 to vector<16xi32>
        %parallel_loop3A_99 = tpu.vector_load_idx %arg8[%parallel_loop3A_98] : memref<512xi32, #tpu.memory_space<vmem>>[vector<16xi32>], vector<16xi32>,
        %parallel_loop3A_100 = arith.constant true
        %parallel_loop3A_101 = vector.broadcast %parallel_loop3A_100 : i1 to vector<16xi1>
        %parallel_loop3A_102 = tpu.scan <sum>, %parallel_loop3A_97 masked %parallel_loop3A_101 : vector<16xi32>, vector<16xi1> -> vector<16xi32>
        %parallel_loop3A_103 = arith.addi %parallel_loop3A_99, %parallel_loop3A_102 : vector<16xi32>
        %parallel_loop3A_104 = arith.subi %parallel_loop3A_103, %parallel_loop3A_97 : vector<16xi32>
        %parallel_loop3A_105 = arith.constant 0 : i32
        %parallel_loop3A_106 = arith.index_cast %parallel_loop3A_105 : i32 to index
        %parallel_loop3A_107 = arith.index_cast %parallel_loop3A_88 : i32 to index
        %parallel_loop3A_108 = tpu.vector_load %arg7[%parallel_loop3A_106, %parallel_loop3A_107] {strides = array<i32>} : memref<2x8192xi32, #tpu.memory_space<vmem>>, vector<16xi32>,
        tpu.vector_store %arg7[%parallel_loop3A_106, %parallel_loop3A_107], %parallel_loop3A_104 {strides = array<i32>} : memref<2x8192xi32, #tpu.memory_space<vmem>>, vector<16xi32>,
        %parallel_loop3A_109 = arith.addi %parallel_loop3A_104, %parallel_loop3A_92 : vector<16xi32>
        %parallel_loop3A_110 = arith.constant 1 : i32
        %parallel_loop3A_111 = arith.index_cast %parallel_loop3A_110 : i32 to index
        %parallel_loop3A_112 = arith.index_cast %parallel_loop3A_88 : i32 to index
        %parallel_loop3A_113 = tpu.vector_load %arg7[%parallel_loop3A_111, %parallel_loop3A_112] {strides = array<i32>} : memref<2x8192xi32, #tpu.memory_space<vmem>>, vector<16xi32>,
        tpu.vector_store %arg7[%parallel_loop3A_111, %parallel_loop3A_112], %parallel_loop3A_109 {strides = array<i32>} : memref<2x8192xi32, #tpu.memory_space<vmem>>, vector<16xi32>,
        %parallel_loop3A_114 = arith.addi %parallel_loop3A_109, %parallel_loop3A_96 : vector<16xi32>
      } {sc.loop_unroll_factor = 2 : i64, sc.parallel_access}
      %scan3A_56 = arith.constant 0 : i32
      %scan3A_57 = arith.constant 0 : i32
      %scan3A_58 = arith.constant 256 : i32
      %scan3A_59 = arith.addi %scan3A_57, %scan3A_58 : i32
      %scan3A_60 = arith.constant 1 : i32
      scf.for %scan3A_86 = %scan3A_57 to %scan3A_59 step %scan3A_60  : i32 {
        %add3A = arith.constant 0 : i32
        %add3A_87 = arith.addi %scan3A_86, %add3A : i32
        %broadcast_in_dim3A_88 = arith.constant 0 : i32
        %broadcast_in_dim3A_89 = vector.broadcast %broadcast_in_dim3A_88 : i32 to vector<16xi32>
        %mul3A = arith.constant 16 : i32
        %mul3A_90 = arith.muli %add3A_87, %mul3A : i32
        %get3A = arith.index_cast %mul3A_90 : i32 to index
        %get3A_91 = tpu.vector_load %arg6[%get3A] {strides = array<i32>} : memref<8192xi32, #tpu.memory_space<vmem>>, vector<16xi32>,
        %shift_right_logical3A = arith.constant 19 : i32
        %shift_right_logical3A_92 = vector.broadcast %shift_right_logical3A : i32 to vector<16xi32>
        %shift_right_logical3A_93 = arith.shrui %get3A_91, %shift_right_logical3A_92 : vector<16xi32>
        %broadcast_in_dim3A_94 = arith.constant true
        %broadcast_in_dim3A_95 = vector.broadcast %broadcast_in_dim3A_94 : i1 to vector<16xi1>
        %unique3A_96, %unique3A_97 = tpu.scan_count mask(%broadcast_in_dim3A_95 : vector<16xi1>) value(%shift_right_logical3A_93 : vector<16xi32>) : vector<16xi1>, vector<16xi32>
        %sub3A = vector.broadcast %reduce_min3A_37 : i32 to vector<16xi32>
        %sub3A_98 = arith.subi %unique3A_97, %sub3A : vector<16xi32>
        %gather3A = tpu.vector_load_idx %arg7[%broadcast_in_dim3A_89, %shift_right_logical3A_93] : memref<2x8192xi32, #tpu.memory_space<vmem>>[vector<16xi32>, vector<16xi32>], vector<16xi32>,
        %add3A_99 = arith.addi %gather3A, %sub3A_98 : vector<16xi32>
        %bitcast3A = vector.bitcast %get3A_91 : vector<16xi32> to vector<16xi32>
        tpu.vector_store_idx %arg9[%add3A_99], %bitcast3A : memref<8192xi32, #tpu.memory_space<vmem>>[vector<16xi32>], vector<16xi32>,
        %mul3A_100 = arith.constant 16 : i32
        %mul3A_101 = arith.muli %add3A_87, %mul3A_100 : i32
        %add3A_102 = vector.broadcast %mul3A_101 : i32 to vector<16xi32>
        %add3A_103 = arith.addi %add3A_102, %iota3A : vector<16xi32>
        tpu.vector_store_idx %arg10[%add3A_99], %add3A_103 : memref<8192xi32, #tpu.memory_space<vmem>>[vector<16xi32>], vector<16xi32>,
        %add3A_104 = arith.constant 1 : i32
        %add3A_105 = vector.broadcast %add3A_104 : i32 to vector<16xi32>
        %add3A_106 = arith.addi %sub3A_98, %add3A_105 : vector<16xi32>
        tpu.vector_store_idx %arg7[%broadcast_in_dim3A_89, %shift_right_logical3A_93], %add3A_106 masked %unique3A_96 {add = true} : memref<2x8192xi32, #tpu.memory_space<vmem>>[vector<16xi32>, vector<16xi32>], vector<16xi32>, vector<16xi1>
        %add3A_107 = arith.constant 256 : i32
        %add3A_108 = arith.addi %scan3A_86, %add3A_107 : i32
        %broadcast_in_dim3A_109 = arith.constant 1 : i32
        %broadcast_in_dim3A_110 = vector.broadcast %broadcast_in_dim3A_109 : i32 to vector<16xi32>
        %mul3A_111 = arith.constant 16 : i32
        %mul3A_112 = arith.muli %add3A_108, %mul3A_111 : i32
        %get3A_113 = arith.index_cast %mul3A_112 : i32 to index
        %get3A_114 = tpu.vector_load %arg6[%get3A_113] {strides = array<i32>} : memref<8192xi32, #tpu.memory_space<vmem>>, vector<16xi32>,
        %shift_right_logical3A_115 = arith.constant 19 : i32
        %shift_right_logical3A_116 = vector.broadcast %shift_right_logical3A_115 : i32 to vector<16xi32>
        %shift_right_logical3A_117 = arith.shrui %get3A_114, %shift_right_logical3A_116 : vector<16xi32>
        %broadcast_in_dim3A_118 = arith.constant true
        %broadcast_in_dim3A_119 = vector.broadcast %broadcast_in_dim3A_118 : i1 to vector<16xi1>
        %unique3A_120, %unique3A_121 = tpu.scan_count mask(%broadcast_in_dim3A_119 : vector<16xi1>) value(%shift_right_logical3A_117 : vector<16xi32>) : vector<16xi1>, vector<16xi32>
        %sub3A_122 = vector.broadcast %reduce_min3A_37 : i32 to vector<16xi32>
        %sub3A_123 = arith.subi %unique3A_121, %sub3A_122 : vector<16xi32>
        %gather3A_124 = tpu.vector_load_idx %arg7[%broadcast_in_dim3A_110, %shift_right_logical3A_117] : memref<2x8192xi32, #tpu.memory_space<vmem>>[vector<16xi32>, vector<16xi32>], vector<16xi32>,
        %add3A_125 = arith.addi %gather3A_124, %sub3A_123 : vector<16xi32>
        %bitcast3A_126 = vector.bitcast %get3A_114 : vector<16xi32> to vector<16xi32>
        tpu.vector_store_idx %arg9[%add3A_125], %bitcast3A_126 : memref<8192xi32, #tpu.memory_space<vmem>>[vector<16xi32>], vector<16xi32>,
        %mul3A_127 = arith.constant 16 : i32
        %mul3A_128 = arith.muli %add3A_108, %mul3A_127 : i32
        %add3A_129 = vector.broadcast %mul3A_128 : i32 to vector<16xi32>
        %add3A_130 = arith.addi %add3A_129, %iota3A : vector<16xi32>
        tpu.vector_store_idx %arg10[%add3A_125], %add3A_130 : memref<8192xi32, #tpu.memory_space<vmem>>[vector<16xi32>], vector<16xi32>,
        %add3A_131 = arith.constant 1 : i32
        %add3A_132 = vector.broadcast %add3A_131 : i32 to vector<16xi32>
        %add3A_133 = arith.addi %sub3A_123, %add3A_132 : vector<16xi32>
        tpu.vector_store_idx %arg7[%broadcast_in_dim3A_110, %shift_right_logical3A_117], %add3A_133 masked %unique3A_120 {add = true} : memref<2x8192xi32, #tpu.memory_space<vmem>>[vector<16xi32>, vector<16xi32>], vector<16xi32>, vector<16xi1>
      }
      %scan3A_61 = arith.constant 256 : i32
      %dma_start3A_62 = arith.constant 0 : i32
      %dma_start3A_63 = tpu.memref_slice %arg4[%arg1, %dma_start3A_62] : memref<4x8192xi32, #tpu.memory_space<hbm>> -> memref<1x8192xi32, #tpu.memory_space<hbm>>
      %dma_start3A_64 = tpu.memref_squeeze %dma_start3A_63 : memref<1x8192xi32, #tpu.memory_space<hbm>> -> memref<8192xi32, #tpu.memory_space<hbm>>
      %dma_start3A_65 = arith.constant 0 : i32
      %dma_start3A_66 = tpu.memref_slice %arg4[%arg1, %dma_start3A_65] : memref<4x8192xi32, #tpu.memory_space<hbm>> -> memref<1x8192xi32, #tpu.memory_space<hbm>>
      %dma_start3A_67 = tpu.memref_squeeze %dma_start3A_66 : memref<1x8192xi32, #tpu.memory_space<hbm>> -> memref<8192xi32, #tpu.memory_space<hbm>>
      tpu.enqueue_dma source(%arg9 : memref<8192xi32, #tpu.memory_space<vmem>>) target(%dma_start3A_67 : memref<8192xi32, #tpu.memory_space<hbm>>) target_semaphore(%arg11 : memref<!tpu.dma_semaphore, #tpu.memory_space<semaphore_mem>>)
      %dma_start3A_68 = arith.constant 0 : i32
      %dma_start3A_69 = tpu.memref_slice %arg5[%arg1, %dma_start3A_68] : memref<4x8192xi32, #tpu.memory_space<hbm>> -> memref<1x8192xi32, #tpu.memory_space<hbm>>
      %dma_start3A_70 = tpu.memref_squeeze %dma_start3A_69 : memref<1x8192xi32, #tpu.memory_space<hbm>> -> memref<8192xi32, #tpu.memory_space<hbm>>
      %dma_start3A_71 = arith.constant 0 : i32
      %dma_start3A_72 = tpu.memref_slice %arg5[%arg1, %dma_start3A_71] : memref<4x8192xi32, #tpu.memory_space<hbm>> -> memref<1x8192xi32, #tpu.memory_space<hbm>>
      %dma_start3A_73 = tpu.memref_squeeze %dma_start3A_72 : memref<1x8192xi32, #tpu.memory_space<hbm>> -> memref<8192xi32, #tpu.memory_space<hbm>>
      tpu.enqueue_dma source(%arg10 : memref<8192xi32, #tpu.memory_space<vmem>>) target(%dma_start3A_73 : memref<8192xi32, #tpu.memory_space<hbm>>) target_semaphore(%arg12 : memref<!tpu.dma_semaphore, #tpu.memory_space<semaphore_mem>>)
      %dma_wait3A_74 = arith.constant 0 : i32
      %dma_wait3A_75 = tpu.memref_slice %arg4[%arg1, %dma_wait3A_74] : memref<4x8192xi32, #tpu.memory_space<hbm>> -> memref<1x8192xi32, #tpu.memory_space<hbm>>
      %dma_wait3A_76 = tpu.memref_squeeze %dma_wait3A_75 : memref<1x8192xi32, #tpu.memory_space<hbm>> -> memref<8192xi32, #tpu.memory_space<hbm>>
      %dma_wait3A_77 = arith.constant 0 : i32
      %dma_wait3A_78 = tpu.memref_slice %arg4[%arg1, %dma_wait3A_77] : memref<4x8192xi32, #tpu.memory_space<hbm>> -> memref<1x8192xi32, #tpu.memory_space<hbm>>
      %dma_wait3A_79 = tpu.memref_squeeze %dma_wait3A_78 : memref<1x8192xi32, #tpu.memory_space<hbm>> -> memref<8192xi32, #tpu.memory_space<hbm>>
      tpu.wait_dma2 semaphore(%arg11 : memref<!tpu.dma_semaphore, #tpu.memory_space<semaphore_mem>>) src(%arg9 : memref<8192xi32, #tpu.memory_space<vmem>>) dst(%dma_wait3A_79 : memref<8192xi32, #tpu.memory_space<hbm>>)
      %dma_wait3A_80 = arith.constant 0 : i32
      %dma_wait3A_81 = tpu.memref_slice %arg5[%arg1, %dma_wait3A_80] : memref<4x8192xi32, #tpu.memory_space<hbm>> -> memref<1x8192xi32, #tpu.memory_space<hbm>>
      %dma_wait3A_82 = tpu.memref_squeeze %dma_wait3A_81 : memref<1x8192xi32, #tpu.memory_space<hbm>> -> memref<8192xi32, #tpu.memory_space<hbm>>
      %dma_wait3A_83 = arith.constant 0 : i32
      %dma_wait3A_84 = tpu.memref_slice %arg5[%arg1, %dma_wait3A_83] : memref<4x8192xi32, #tpu.memory_space<hbm>> -> memref<1x8192xi32, #tpu.memory_space<hbm>>
      %dma_wait3A_85 = tpu.memref_squeeze %dma_wait3A_84 : memref<1x8192xi32, #tpu.memory_space<hbm>> -> memref<8192xi32, #tpu.memory_space<hbm>>
      tpu.wait_dma2 semaphore(%arg12 : memref<!tpu.dma_semaphore, #tpu.memory_space<semaphore_mem>>) src(%arg10 : memref<8192xi32, #tpu.memory_space<vmem>>) dst(%dma_wait3A_85 : memref<8192xi32, #tpu.memory_space<hbm>>)
    } else {
    }
    return
  }
}

module attributes {stable_mosaic.version = 14 : i64} {
  func.func @_prng_body(%arg0: memref<4x8192xi32, #tpu.memory_space<vmem>>) attributes {dimension_semantics = [], scalar_prefetch = 0 : i64, scratch_operands = 0 : i64, tpu.core_type = #tpu.core_type<tc>} {
    %iota3A = tpu.iota {dimensions = array<i32: 0>} : vector<4x8192xi32>
    %iota3A_0 = tpu.iota {dimensions = array<i32: 1>} : vector<4x8192xi32>
    %mul3A = arith.constant 8192 : i32
    %mul3A_1 = vector.broadcast %mul3A : i32 to vector<4x8192xi32>
    %mul3A_2 = arith.muli %iota3A, %mul3A_1 : vector<4x8192xi32>
    %add3A = arith.addi %mul3A_2, %iota3A_0 : vector<4x8192xi32>
    %broadcast_in_dim3A = arith.constant 0 : i32
    %broadcast_in_dim3A_3 = vector.broadcast %broadcast_in_dim3A : i32 to vector<4x8192xi32>
    %add3A_4 = arith.constant 0 : i32
    %add3A_5 = vector.broadcast %add3A_4 : i32 to vector<4x8192xi32>
    %add3A_6 = arith.addi %broadcast_in_dim3A_3, %add3A_5 : vector<4x8192xi32>
    %add3A_7 = arith.constant 1234 : i32
    %add3A_8 = vector.broadcast %add3A_7 : i32 to vector<4x8192xi32>
    %add3A_9 = arith.addi %add3A, %add3A_8 : vector<4x8192xi32>
    %add3A_10 = arith.addi %add3A_6, %add3A_9 : vector<4x8192xi32>
    %shift_left3A = arith.constant 13 : i32
    %shift_left3A_11 = vector.broadcast %shift_left3A : i32 to vector<4x8192xi32>
    %shift_left3A_12 = arith.shli %add3A_9, %shift_left3A_11 : vector<4x8192xi32>
    %shift_right_logical3A = arith.constant 19 : i32
    %shift_right_logical3A_13 = vector.broadcast %shift_right_logical3A : i32 to vector<4x8192xi32>
    %shift_right_logical3A_14 = arith.shrui %add3A_9, %shift_right_logical3A_13 : vector<4x8192xi32>
    %or3A = arith.ori %shift_left3A_12, %shift_right_logical3A_14 : vector<4x8192xi32>
    %xor3A = arith.xori %or3A, %add3A_10 : vector<4x8192xi32>
    %add3A_15 = arith.addi %add3A_10, %xor3A : vector<4x8192xi32>
    %shift_left3A_16 = arith.constant 15 : i32
    %shift_left3A_17 = vector.broadcast %shift_left3A_16 : i32 to vector<4x8192xi32>
    %shift_left3A_18 = arith.shli %xor3A, %shift_left3A_17 : vector<4x8192xi32>
    %shift_right_logical3A_19 = arith.constant 17 : i32
    %shift_right_logical3A_20 = vector.broadcast %shift_right_logical3A_19 : i32 to vector<4x8192xi32>
    %shift_right_logical3A_21 = arith.shrui %xor3A, %shift_right_logical3A_20 : vector<4x8192xi32>
    %or3A_22 = arith.ori %shift_left3A_18, %shift_right_logical3A_21 : vector<4x8192xi32>
    %xor3A_23 = arith.xori %or3A_22, %add3A_15 : vector<4x8192xi32>
    %add3A_24 = arith.addi %add3A_15, %xor3A_23 : vector<4x8192xi32>
    %shift_left3A_25 = arith.constant 26 : i32
    %shift_left3A_26 = vector.broadcast %shift_left3A_25 : i32 to vector<4x8192xi32>
    %shift_left3A_27 = arith.shli %xor3A_23, %shift_left3A_26 : vector<4x8192xi32>
    %shift_right_logical3A_28 = arith.constant 6 : i32
    %shift_right_logical3A_29 = vector.broadcast %shift_right_logical3A_28 : i32 to vector<4x8192xi32>
    %shift_right_logical3A_30 = arith.shrui %xor3A_23, %shift_right_logical3A_29 : vector<4x8192xi32>
    %or3A_31 = arith.ori %shift_left3A_27, %shift_right_logical3A_30 : vector<4x8192xi32>
    %xor3A_32 = arith.xori %or3A_31, %add3A_24 : vector<4x8192xi32>
    %add3A_33 = arith.addi %add3A_24, %xor3A_32 : vector<4x8192xi32>
    %shift_left3A_34 = arith.constant 6 : i32
    %shift_left3A_35 = vector.broadcast %shift_left3A_34 : i32 to vector<4x8192xi32>
    %shift_left3A_36 = arith.shli %xor3A_32, %shift_left3A_35 : vector<4x8192xi32>
    %shift_right_logical3A_37 = arith.constant 26 : i32
    %shift_right_logical3A_38 = vector.broadcast %shift_right_logical3A_37 : i32 to vector<4x8192xi32>
    %shift_right_logical3A_39 = arith.shrui %xor3A_32, %shift_right_logical3A_38 : vector<4x8192xi32>
    %or3A_40 = arith.ori %shift_left3A_36, %shift_right_logical3A_39 : vector<4x8192xi32>
    %xor3A_41 = arith.xori %or3A_40, %add3A_33 : vector<4x8192xi32>
    %add3A_42 = arith.constant 1234 : i32
    %add3A_43 = vector.broadcast %add3A_42 : i32 to vector<4x8192xi32>
    %add3A_44 = arith.addi %add3A_33, %add3A_43 : vector<4x8192xi32>
    %add3A_45 = arith.constant 466689800 : i32
    %add3A_46 = vector.broadcast %add3A_45 : i32 to vector<4x8192xi32>
    %add3A_47 = arith.addi %xor3A_41, %add3A_46 : vector<4x8192xi32>
    %add3A_48 = arith.constant 1 : i32
    %add3A_49 = vector.broadcast %add3A_48 : i32 to vector<4x8192xi32>
    %add3A_50 = arith.addi %add3A_47, %add3A_49 : vector<4x8192xi32>
    %add3A_51 = arith.addi %add3A_44, %add3A_50 : vector<4x8192xi32>
    %shift_left3A_52 = arith.constant 17 : i32
    %shift_left3A_53 = vector.broadcast %shift_left3A_52 : i32 to vector<4x8192xi32>
    %shift_left3A_54 = arith.shli %add3A_50, %shift_left3A_53 : vector<4x8192xi32>
    %shift_right_logical3A_55 = arith.constant 15 : i32
    %shift_right_logical3A_56 = vector.broadcast %shift_right_logical3A_55 : i32 to vector<4x8192xi32>
    %shift_right_logical3A_57 = arith.shrui %add3A_50, %shift_right_logical3A_56 : vector<4x8192xi32>
    %or3A_58 = arith.ori %shift_left3A_54, %shift_right_logical3A_57 : vector<4x8192xi32>
    %xor3A_59 = arith.xori %or3A_58, %add3A_51 : vector<4x8192xi32>
    %add3A_60 = arith.addi %add3A_51, %xor3A_59 : vector<4x8192xi32>
    %shift_left3A_61 = arith.constant 29 : i32
    %shift_left3A_62 = vector.broadcast %shift_left3A_61 : i32 to vector<4x8192xi32>
    %shift_left3A_63 = arith.shli %xor3A_59, %shift_left3A_62 : vector<4x8192xi32>
    %shift_right_logical3A_64 = arith.constant 3 : i32
    %shift_right_logical3A_65 = vector.broadcast %shift_right_logical3A_64 : i32 to vector<4x8192xi32>
    %shift_right_logical3A_66 = arith.shrui %xor3A_59, %shift_right_logical3A_65 : vector<4x8192xi32>
    %or3A_67 = arith.ori %shift_left3A_63, %shift_right_logical3A_66 : vector<4x8192xi32>
    %xor3A_68 = arith.xori %or3A_67, %add3A_60 : vector<4x8192xi32>
    %add3A_69 = arith.addi %add3A_60, %xor3A_68 : vector<4x8192xi32>
    %shift_left3A_70 = arith.constant 16 : i32
    %shift_left3A_71 = vector.broadcast %shift_left3A_70 : i32 to vector<4x8192xi32>
    %shift_left3A_72 = arith.shli %xor3A_68, %shift_left3A_71 : vector<4x8192xi32>
    %shift_right_logical3A_73 = arith.constant 16 : i32
    %shift_right_logical3A_74 = vector.broadcast %shift_right_logical3A_73 : i32 to vector<4x8192xi32>
    %shift_right_logical3A_75 = arith.shrui %xor3A_68, %shift_right_logical3A_74 : vector<4x8192xi32>
    %or3A_76 = arith.ori %shift_left3A_72, %shift_right_logical3A_75 : vector<4x8192xi32>
    %xor3A_77 = arith.xori %or3A_76, %add3A_69 : vector<4x8192xi32>
    %add3A_78 = arith.addi %add3A_69, %xor3A_77 : vector<4x8192xi32>
    %shift_left3A_79 = arith.constant 24 : i32
    %shift_left3A_80 = vector.broadcast %shift_left3A_79 : i32 to vector<4x8192xi32>
    %shift_left3A_81 = arith.shli %xor3A_77, %shift_left3A_80 : vector<4x8192xi32>
    %shift_right_logical3A_82 = arith.constant 8 : i32
    %shift_right_logical3A_83 = vector.broadcast %shift_right_logical3A_82 : i32 to vector<4x8192xi32>
    %shift_right_logical3A_84 = arith.shrui %xor3A_77, %shift_right_logical3A_83 : vector<4x8192xi32>
    %or3A_85 = arith.ori %shift_left3A_81, %shift_right_logical3A_84 : vector<4x8192xi32>
    %xor3A_86 = arith.xori %or3A_85, %add3A_78 : vector<4x8192xi32>
    %add3A_87 = arith.constant 466689800 : i32
    %add3A_88 = vector.broadcast %add3A_87 : i32 to vector<4x8192xi32>
    %add3A_89 = arith.addi %add3A_78, %add3A_88 : vector<4x8192xi32>
    %add3A_90 = arith.constant 0 : i32
    %add3A_91 = vector.broadcast %add3A_90 : i32 to vector<4x8192xi32>
    %add3A_92 = arith.addi %xor3A_86, %add3A_91 : vector<4x8192xi32>
    %add3A_93 = arith.constant 2 : i32
    %add3A_94 = vector.broadcast %add3A_93 : i32 to vector<4x8192xi32>
    %add3A_95 = arith.addi %add3A_92, %add3A_94 : vector<4x8192xi32>
    %add3A_96 = arith.addi %add3A_89, %add3A_95 : vector<4x8192xi32>
    %shift_left3A_97 = arith.constant 13 : i32
    %shift_left3A_98 = vector.broadcast %shift_left3A_97 : i32 to vector<4x8192xi32>
    %shift_left3A_99 = arith.shli %add3A_95, %shift_left3A_98 : vector<4x8192xi32>
    %shift_right_logical3A_100 = arith.constant 19 : i32
    %shift_right_logical3A_101 = vector.broadcast %shift_right_logical3A_100 : i32 to vector<4x8192xi32>
    %shift_right_logical3A_102 = arith.shrui %add3A_95, %shift_right_logical3A_101 : vector<4x8192xi32>
    %or3A_103 = arith.ori %shift_left3A_99, %shift_right_logical3A_102 : vector<4x8192xi32>
    %xor3A_104 = arith.xori %or3A_103, %add3A_96 : vector<4x8192xi32>
    %add3A_105 = arith.addi %add3A_96, %xor3A_104 : vector<4x8192xi32>
    %shift_left3A_106 = arith.constant 15 : i32
    %shift_left3A_107 = vector.broadcast %shift_left3A_106 : i32 to vector<4x8192xi32>
    %shift_left3A_108 = arith.shli %xor3A_104, %shift_left3A_107 : vector<4x8192xi32>
    %shift_right_logical3A_109 = arith.constant 17 : i32
    %shift_right_logical3A_110 = vector.broadcast %shift_right_logical3A_109 : i32 to vector<4x8192xi32>
    %shift_right_logical3A_111 = arith.shrui %xor3A_104, %shift_right_logical3A_110 : vector<4x8192xi32>
    %or3A_112 = arith.ori %shift_left3A_108, %shift_right_logical3A_111 : vector<4x8192xi32>
    %xor3A_113 = arith.xori %or3A_112, %add3A_105 : vector<4x8192xi32>
    %add3A_114 = arith.addi %add3A_105, %xor3A_113 : vector<4x8192xi32>
    %shift_left3A_115 = arith.constant 26 : i32
    %shift_left3A_116 = vector.broadcast %shift_left3A_115 : i32 to vector<4x8192xi32>
    %shift_left3A_117 = arith.shli %xor3A_113, %shift_left3A_116 : vector<4x8192xi32>
    %shift_right_logical3A_118 = arith.constant 6 : i32
    %shift_right_logical3A_119 = vector.broadcast %shift_right_logical3A_118 : i32 to vector<4x8192xi32>
    %shift_right_logical3A_120 = arith.shrui %xor3A_113, %shift_right_logical3A_119 : vector<4x8192xi32>
    %or3A_121 = arith.ori %shift_left3A_117, %shift_right_logical3A_120 : vector<4x8192xi32>
    %xor3A_122 = arith.xori %or3A_121, %add3A_114 : vector<4x8192xi32>
    %add3A_123 = arith.addi %add3A_114, %xor3A_122 : vector<4x8192xi32>
    %shift_left3A_124 = arith.constant 6 : i32
    %shift_left3A_125 = vector.broadcast %shift_left3A_124 : i32 to vector<4x8192xi32>
    %shift_left3A_126 = arith.shli %xor3A_122, %shift_left3A_125 : vector<4x8192xi32>
    %shift_right_logical3A_127 = arith.constant 26 : i32
    %shift_right_logical3A_128 = vector.broadcast %shift_right_logical3A_127 : i32 to vector<4x8192xi32>
    %shift_right_logical3A_129 = arith.shrui %xor3A_122, %shift_right_logical3A_128 : vector<4x8192xi32>
    %or3A_130 = arith.ori %shift_left3A_126, %shift_right_logical3A_129 : vector<4x8192xi32>
    %xor3A_131 = arith.xori %or3A_130, %add3A_123 : vector<4x8192xi32>
    %add3A_132 = arith.constant 0 : i32
    %add3A_133 = vector.broadcast %add3A_132 : i32 to vector<4x8192xi32>
    %add3A_134 = arith.addi %add3A_123, %add3A_133 : vector<4x8192xi32>
    %add3A_135 = arith.constant 1234 : i32
    %add3A_136 = vector.broadcast %add3A_135 : i32 to vector<4x8192xi32>
    %add3A_137 = arith.addi %xor3A_131, %add3A_136 : vector<4x8192xi32>
    %add3A_138 = arith.constant 3 : i32
    %add3A_139 = vector.broadcast %add3A_138 : i32 to vector<4x8192xi32>
    %add3A_140 = arith.addi %add3A_137, %add3A_139 : vector<4x8192xi32>
    %add3A_141 = arith.addi %add3A_134, %add3A_140 : vector<4x8192xi32>
    %shift_left3A_142 = arith.constant 17 : i32
    %shift_left3A_143 = vector.broadcast %shift_left3A_142 : i32 to vector<4x8192xi32>
    %shift_left3A_144 = arith.shli %add3A_140, %shift_left3A_143 : vector<4x8192xi32>
    %shift_right_logical3A_145 = arith.constant 15 : i32
    %shift_right_logical3A_146 = vector.broadcast %shift_right_logical3A_145 : i32 to vector<4x8192xi32>
    %shift_right_logical3A_147 = arith.shrui %add3A_140, %shift_right_logical3A_146 : vector<4x8192xi32>
    %or3A_148 = arith.ori %shift_left3A_144, %shift_right_logical3A_147 : vector<4x8192xi32>
    %xor3A_149 = arith.xori %or3A_148, %add3A_141 : vector<4x8192xi32>
    %add3A_150 = arith.addi %add3A_141, %xor3A_149 : vector<4x8192xi32>
    %shift_left3A_151 = arith.constant 29 : i32
    %shift_left3A_152 = vector.broadcast %shift_left3A_151 : i32 to vector<4x8192xi32>
    %shift_left3A_153 = arith.shli %xor3A_149, %shift_left3A_152 : vector<4x8192xi32>
    %shift_right_logical3A_154 = arith.constant 3 : i32
    %shift_right_logical3A_155 = vector.broadcast %shift_right_logical3A_154 : i32 to vector<4x8192xi32>
    %shift_right_logical3A_156 = arith.shrui %xor3A_149, %shift_right_logical3A_155 : vector<4x8192xi32>
    %or3A_157 = arith.ori %shift_left3A_153, %shift_right_logical3A_156 : vector<4x8192xi32>
    %xor3A_158 = arith.xori %or3A_157, %add3A_150 : vector<4x8192xi32>
    %add3A_159 = arith.addi %add3A_150, %xor3A_158 : vector<4x8192xi32>
    %shift_left3A_160 = arith.constant 16 : i32
    %shift_left3A_161 = vector.broadcast %shift_left3A_160 : i32 to vector<4x8192xi32>
    %shift_left3A_162 = arith.shli %xor3A_158, %shift_left3A_161 : vector<4x8192xi32>
    %shift_right_logical3A_163 = arith.constant 16 : i32
    %shift_right_logical3A_164 = vector.broadcast %shift_right_logical3A_163 : i32 to vector<4x8192xi32>
    %shift_right_logical3A_165 = arith.shrui %xor3A_158, %shift_right_logical3A_164 : vector<4x8192xi32>
    %or3A_166 = arith.ori %shift_left3A_162, %shift_right_logical3A_165 : vector<4x8192xi32>
    %xor3A_167 = arith.xori %or3A_166, %add3A_159 : vector<4x8192xi32>
    %add3A_168 = arith.addi %add3A_159, %xor3A_167 : vector<4x8192xi32>
    %shift_left3A_169 = arith.constant 24 : i32
    %shift_left3A_170 = vector.broadcast %shift_left3A_169 : i32 to vector<4x8192xi32>
    %shift_left3A_171 = arith.shli %xor3A_167, %shift_left3A_170 : vector<4x8192xi32>
    %shift_right_logical3A_172 = arith.constant 8 : i32
    %shift_right_logical3A_173 = vector.broadcast %shift_right_logical3A_172 : i32 to vector<4x8192xi32>
    %shift_right_logical3A_174 = arith.shrui %xor3A_167, %shift_right_logical3A_173 : vector<4x8192xi32>
    %or3A_175 = arith.ori %shift_left3A_171, %shift_right_logical3A_174 : vector<4x8192xi32>
    %xor3A_176 = arith.xori %or3A_175, %add3A_168 : vector<4x8192xi32>
    %add3A_177 = arith.constant 1234 : i32
    %add3A_178 = vector.broadcast %add3A_177 : i32 to vector<4x8192xi32>
    %add3A_179 = arith.addi %add3A_168, %add3A_178 : vector<4x8192xi32>
    %add3A_180 = arith.constant 466689800 : i32
    %add3A_181 = vector.broadcast %add3A_180 : i32 to vector<4x8192xi32>
    %add3A_182 = arith.addi %xor3A_176, %add3A_181 : vector<4x8192xi32>
    %add3A_183 = arith.constant 4 : i32
    %add3A_184 = vector.broadcast %add3A_183 : i32 to vector<4x8192xi32>
    %add3A_185 = arith.addi %add3A_182, %add3A_184 : vector<4x8192xi32>
    %add3A_186 = arith.addi %add3A_179, %add3A_185 : vector<4x8192xi32>
    %shift_left3A_187 = arith.constant 13 : i32
    %shift_left3A_188 = vector.broadcast %shift_left3A_187 : i32 to vector<4x8192xi32>
    %shift_left3A_189 = arith.shli %add3A_185, %shift_left3A_188 : vector<4x8192xi32>
    %shift_right_logical3A_190 = arith.constant 19 : i32
    %shift_right_logical3A_191 = vector.broadcast %shift_right_logical3A_190 : i32 to vector<4x8192xi32>
    %shift_right_logical3A_192 = arith.shrui %add3A_185, %shift_right_logical3A_191 : vector<4x8192xi32>
    %or3A_193 = arith.ori %shift_left3A_189, %shift_right_logical3A_192 : vector<4x8192xi32>
    %xor3A_194 = arith.xori %or3A_193, %add3A_186 : vector<4x8192xi32>
    %add3A_195 = arith.addi %add3A_186, %xor3A_194 : vector<4x8192xi32>
    %shift_left3A_196 = arith.constant 15 : i32
    %shift_left3A_197 = vector.broadcast %shift_left3A_196 : i32 to vector<4x8192xi32>
    %shift_left3A_198 = arith.shli %xor3A_194, %shift_left3A_197 : vector<4x8192xi32>
    %shift_right_logical3A_199 = arith.constant 17 : i32
    %shift_right_logical3A_200 = vector.broadcast %shift_right_logical3A_199 : i32 to vector<4x8192xi32>
    %shift_right_logical3A_201 = arith.shrui %xor3A_194, %shift_right_logical3A_200 : vector<4x8192xi32>
    %or3A_202 = arith.ori %shift_left3A_198, %shift_right_logical3A_201 : vector<4x8192xi32>
    %xor3A_203 = arith.xori %or3A_202, %add3A_195 : vector<4x8192xi32>
    %add3A_204 = arith.addi %add3A_195, %xor3A_203 : vector<4x8192xi32>
    %shift_left3A_205 = arith.constant 26 : i32
    %shift_left3A_206 = vector.broadcast %shift_left3A_205 : i32 to vector<4x8192xi32>
    %shift_left3A_207 = arith.shli %xor3A_203, %shift_left3A_206 : vector<4x8192xi32>
    %shift_right_logical3A_208 = arith.constant 6 : i32
    %shift_right_logical3A_209 = vector.broadcast %shift_right_logical3A_208 : i32 to vector<4x8192xi32>
    %shift_right_logical3A_210 = arith.shrui %xor3A_203, %shift_right_logical3A_209 : vector<4x8192xi32>
    %or3A_211 = arith.ori %shift_left3A_207, %shift_right_logical3A_210 : vector<4x8192xi32>
    %xor3A_212 = arith.xori %or3A_211, %add3A_204 : vector<4x8192xi32>
    %add3A_213 = arith.addi %add3A_204, %xor3A_212 : vector<4x8192xi32>
    %shift_left3A_214 = arith.constant 6 : i32
    %shift_left3A_215 = vector.broadcast %shift_left3A_214 : i32 to vector<4x8192xi32>
    %shift_left3A_216 = arith.shli %xor3A_212, %shift_left3A_215 : vector<4x8192xi32>
    %shift_right_logical3A_217 = arith.constant 26 : i32
    %shift_right_logical3A_218 = vector.broadcast %shift_right_logical3A_217 : i32 to vector<4x8192xi32>
    %shift_right_logical3A_219 = arith.shrui %xor3A_212, %shift_right_logical3A_218 : vector<4x8192xi32>
    %or3A_220 = arith.ori %shift_left3A_216, %shift_right_logical3A_219 : vector<4x8192xi32>
    %xor3A_221 = arith.xori %or3A_220, %add3A_213 : vector<4x8192xi32>
    %add3A_222 = arith.constant 466689800 : i32
    %add3A_223 = vector.broadcast %add3A_222 : i32 to vector<4x8192xi32>
    %add3A_224 = arith.addi %add3A_213, %add3A_223 : vector<4x8192xi32>
    %add3A_225 = arith.constant 0 : i32
    %add3A_226 = vector.broadcast %add3A_225 : i32 to vector<4x8192xi32>
    %add3A_227 = arith.addi %xor3A_221, %add3A_226 : vector<4x8192xi32>
    %add3A_228 = arith.constant 5 : i32
    %add3A_229 = vector.broadcast %add3A_228 : i32 to vector<4x8192xi32>
    %add3A_230 = arith.addi %add3A_227, %add3A_229 : vector<4x8192xi32>
    %xor3A_231 = arith.xori %add3A_224, %add3A_230 : vector<4x8192xi32>
    %shift_right_logical3A_232 = arith.constant 9 : i32
    %shift_right_logical3A_233 = vector.broadcast %shift_right_logical3A_232 : i32 to vector<4x8192xi32>
    %shift_right_logical3A_234 = arith.shrui %xor3A_231, %shift_right_logical3A_233 : vector<4x8192xi32>
    %shift_left3A_235 = arith.constant 9 : i32
    %shift_left3A_236 = vector.broadcast %shift_left3A_235 : i32 to vector<4x8192xi32>
    %shift_left3A_237 = arith.shli %shift_right_logical3A_234, %shift_left3A_236 : vector<4x8192xi32>
    %shift_right_logical3A_238 = arith.constant 4 : i32
    %shift_right_logical3A_239 = vector.broadcast %shift_right_logical3A_238 : i32 to vector<4x8192xi32>
    %shift_right_logical3A_240 = arith.shrui %iota3A_0, %shift_right_logical3A_239 : vector<4x8192xi32>
    %or3A_241 = arith.ori %shift_left3A_237, %shift_right_logical3A_240 : vector<4x8192xi32>
    %swap3A = arith.constant 0 : index
    %swap3A_242 = arith.constant 0 : index
    %swap3A_243 = vector.load %arg0[%swap3A, %swap3A_242] : memref<4x8192xi32, #tpu.memory_space<vmem>>, vector<4x8192xi32>
    tpu.vector_store %arg0[%swap3A, %swap3A_242], %or3A_241 {strides = array<i32>} : memref<4x8192xi32, #tpu.memory_space<vmem>>, vector<4x8192xi32>,
    return
  }
}

module attributes {stable_mosaic.version = 14 : i64} {
  func.func @_finish_body(%arg0: memref<4x64x128xi32, #tpu.memory_space<vmem>>, %arg1: memref<4x64x128xi32, #tpu.memory_space<vmem>>, %arg2: memref<4x64x128xi32, #tpu.memory_space<vmem>>, %arg3: memref<4x128xi32, #tpu.memory_space<vmem>>, %arg4: memref<4x32x128xi32, #tpu.memory_space<vmem>>, %arg5: memref<4x64x128xi32, #tpu.memory_space<vmem>>, %arg6: memref<4x128xi32, #tpu.memory_space<vmem>>) attributes {dimension_semantics = [], scalar_prefetch = 0 : i64, scratch_operands = 0 : i64, tpu.core_type = #tpu.core_type<tc>} {
    %iota3A = tpu.iota {dimensions = array<i32: 2>} : vector<4x64x128xi32>
    %iota3A_0 = tpu.iota {dimensions = array<i32: 1>} : vector<4x64x128xi32>
    %get3A = arith.constant 0 : index
    %get3A_1 = arith.constant 0 : index
    %get3A_2 = arith.constant 0 : index
    %get3A_3 = vector.load %arg0[%get3A, %get3A_1, %get3A_2] : memref<4x64x128xi32, #tpu.memory_space<vmem>>, vector<4x64x128xi32>
    %bitcast_convert_type3A = tpu.bitcast %get3A_3 : vector<4x64x128xi32> -> vector<4x64x128xi32>
    %get3A_4 = arith.constant 0 : index
    %get3A_5 = arith.constant 0 : index
    %get3A_6 = arith.constant 0 : index
    %get3A_7 = vector.load %arg1[%get3A_4, %get3A_5, %get3A_6] : memref<4x64x128xi32, #tpu.memory_space<vmem>>, vector<4x64x128xi32>
    %shift_right_arithmetic3A = arith.constant 1 : i32
    %shift_right_arithmetic3A_8 = vector.broadcast %shift_right_arithmetic3A : i32 to vector<4x64x128xi32>
    %shift_right_arithmetic3A_9 = arith.shrsi %iota3A, %shift_right_arithmetic3A_8 : vector<4x64x128xi32>
    %and3A = arith.constant 1 : i32
    %and3A_10 = vector.broadcast %and3A : i32 to vector<4x64x128xi32>
    %and3A_11 = arith.andi %shift_right_arithmetic3A_9, %and3A_10 : vector<4x64x128xi32>
    %eq3A = arith.constant 1 : i32
    %eq3A_12 = vector.broadcast %eq3A : i32 to vector<4x64x128xi32>
    %eq3A_13 = arith.cmpi eq, %and3A_11, %eq3A_12 : vector<4x64x128xi32>
    %and3A_14 = arith.constant 1 : i32
    %and3A_15 = vector.broadcast %and3A_14 : i32 to vector<4x64x128xi32>
    %and3A_16 = arith.andi %iota3A, %and3A_15 : vector<4x64x128xi32>
    %eq3A_17 = arith.constant 0 : i32
    %eq3A_18 = vector.broadcast %eq3A_17 : i32 to vector<4x64x128xi32>
    %eq3A_19 = arith.cmpi eq, %and3A_16, %eq3A_18 : vector<4x64x128xi32>
    %slice3A = vector.extract_strided_slice %bitcast_convert_type3A {offsets = [0, 0, 1], sizes = [4, 64, 127], strides = [1, 1, 1]} : vector<4x64x128xi32> to vector<4x64x127xi32>
    %slice3A_20 = vector.extract_strided_slice %bitcast_convert_type3A {offsets = [0, 0, 0], sizes = [4, 64, 1], strides = [1, 1, 1]} : vector<4x64x128xi32> to vector<4x64x1xi32>
    %concatenate3A = tpu.concatenate %slice3A, %slice3A_20 in 2 : vector<4x64x127xi32>, vector<4x64x1xi32> -> vector<4x64x128xi32>
    %slice3A_21 = vector.extract_strided_slice %bitcast_convert_type3A {offsets = [0, 0, 127], sizes = [4, 64, 1], strides = [1, 1, 1]} : vector<4x64x128xi32> to vector<4x64x1xi32>
    %slice3A_22 = vector.extract_strided_slice %bitcast_convert_type3A {offsets = [0, 0, 0], sizes = [4, 64, 127], strides = [1, 1, 1]} : vector<4x64x128xi32> to vector<4x64x127xi32>
    %concatenate3A_23 = tpu.concatenate %slice3A_21, %slice3A_22 in 2 : vector<4x64x1xi32>, vector<4x64x127xi32> -> vector<4x64x128xi32>
    %select_n3A = arith.select %eq3A_19, %concatenate3A, %concatenate3A_23 : vector<4x64x128xi1>, vector<4x64x128xi32>
    %slice3A_24 = vector.extract_strided_slice %get3A_7 {offsets = [0, 0, 1], sizes = [4, 64, 127], strides = [1, 1, 1]} : vector<4x64x128xi32> to vector<4x64x127xi32>
    %slice3A_25 = vector.extract_strided_slice %get3A_7 {offsets = [0, 0, 0], sizes = [4, 64, 1], strides = [1, 1, 1]} : vector<4x64x128xi32> to vector<4x64x1xi32>
    %concatenate3A_26 = tpu.concatenate %slice3A_24, %slice3A_25 in 2 : vector<4x64x127xi32>, vector<4x64x1xi32> -> vector<4x64x128xi32>
    %slice3A_27 = vector.extract_strided_slice %get3A_7 {offsets = [0, 0, 127], sizes = [4, 64, 1], strides = [1, 1, 1]} : vector<4x64x128xi32> to vector<4x64x1xi32>
    %slice3A_28 = vector.extract_strided_slice %get3A_7 {offsets = [0, 0, 0], sizes = [4, 64, 127], strides = [1, 1, 1]} : vector<4x64x128xi32> to vector<4x64x127xi32>
    %concatenate3A_29 = tpu.concatenate %slice3A_27, %slice3A_28 in 2 : vector<4x64x1xi32>, vector<4x64x127xi32> -> vector<4x64x128xi32>
    %select_n3A_30 = arith.select %eq3A_19, %concatenate3A_26, %concatenate3A_29 : vector<4x64x128xi1>, vector<4x64x128xi32>
    %ne3A = arith.xori %eq3A_19, %eq3A_13 : vector<4x64x128xi1>
    %lt3A = arith.cmpi ult, %select_n3A, %bitcast_convert_type3A : vector<4x64x128xi32>
    %and3A_31 = arith.andi %ne3A, %lt3A : vector<4x64x128xi1>
    %not3A = arith.constant dense<true> : vector<4x64x128xi1>
    %not3A_32 = arith.xori %ne3A, %not3A : vector<4x64x128xi1>
    %gt3A = arith.cmpi ugt, %select_n3A, %bitcast_convert_type3A : vector<4x64x128xi32>
    %and3A_33 = arith.andi %not3A_32, %gt3A : vector<4x64x128xi1>
    %or3A = arith.ori %and3A_31, %and3A_33 : vector<4x64x128xi1>
    %select_n3A_34 = arith.select %or3A, %select_n3A, %bitcast_convert_type3A : vector<4x64x128xi1>, vector<4x64x128xi32>
    %select_n3A_35 = arith.select %or3A, %select_n3A_30, %get3A_7 : vector<4x64x128xi1>, vector<4x64x128xi32>
    %shift_right_arithmetic3A_36 = arith.constant 2 : i32
    %shift_right_arithmetic3A_37 = vector.broadcast %shift_right_arithmetic3A_36 : i32 to vector<4x64x128xi32>
    %shift_right_arithmetic3A_38 = arith.shrsi %iota3A, %shift_right_arithmetic3A_37 : vector<4x64x128xi32>
    %and3A_39 = arith.constant 1 : i32
    %and3A_40 = vector.broadcast %and3A_39 : i32 to vector<4x64x128xi32>
    %and3A_41 = arith.andi %shift_right_arithmetic3A_38, %and3A_40 : vector<4x64x128xi32>
    %eq3A_42 = arith.constant 1 : i32
    %eq3A_43 = vector.broadcast %eq3A_42 : i32 to vector<4x64x128xi32>
    %eq3A_44 = arith.cmpi eq, %and3A_41, %eq3A_43 : vector<4x64x128xi32>
    %and3A_45 = arith.constant 2 : i32
    %and3A_46 = vector.broadcast %and3A_45 : i32 to vector<4x64x128xi32>
    %and3A_47 = arith.andi %iota3A, %and3A_46 : vector<4x64x128xi32>
    %eq3A_48 = arith.constant 0 : i32
    %eq3A_49 = vector.broadcast %eq3A_48 : i32 to vector<4x64x128xi32>
    %eq3A_50 = arith.cmpi eq, %and3A_47, %eq3A_49 : vector<4x64x128xi32>
    %slice3A_51 = vector.extract_strided_slice %select_n3A_34 {offsets = [0, 0, 2], sizes = [4, 64, 126], strides = [1, 1, 1]} : vector<4x64x128xi32> to vector<4x64x126xi32>
    %slice3A_52 = vector.extract_strided_slice %select_n3A_34 {offsets = [0, 0, 0], sizes = [4, 64, 2], strides = [1, 1, 1]} : vector<4x64x128xi32> to vector<4x64x2xi32>
    %concatenate3A_53 = tpu.concatenate %slice3A_51, %slice3A_52 in 2 : vector<4x64x126xi32>, vector<4x64x2xi32> -> vector<4x64x128xi32>
    %slice3A_54 = vector.extract_strided_slice %select_n3A_34 {offsets = [0, 0, 126], sizes = [4, 64, 2], strides = [1, 1, 1]} : vector<4x64x128xi32> to vector<4x64x2xi32>
    %slice3A_55 = vector.extract_strided_slice %select_n3A_34 {offsets = [0, 0, 0], sizes = [4, 64, 126], strides = [1, 1, 1]} : vector<4x64x128xi32> to vector<4x64x126xi32>
    %concatenate3A_56 = tpu.concatenate %slice3A_54, %slice3A_55 in 2 : vector<4x64x2xi32>, vector<4x64x126xi32> -> vector<4x64x128xi32>
    %select_n3A_57 = arith.select %eq3A_50, %concatenate3A_53, %concatenate3A_56 : vector<4x64x128xi1>, vector<4x64x128xi32>
    %slice3A_58 = vector.extract_strided_slice %select_n3A_35 {offsets = [0, 0, 2], sizes = [4, 64, 126], strides = [1, 1, 1]} : vector<4x64x128xi32> to vector<4x64x126xi32>
    %slice3A_59 = vector.extract_strided_slice %select_n3A_35 {offsets = [0, 0, 0], sizes = [4, 64, 2], strides = [1, 1, 1]} : vector<4x64x128xi32> to vector<4x64x2xi32>
    %concatenate3A_60 = tpu.concatenate %slice3A_58, %slice3A_59 in 2 : vector<4x64x126xi32>, vector<4x64x2xi32> -> vector<4x64x128xi32>
    %slice3A_61 = vector.extract_strided_slice %select_n3A_35 {offsets = [0, 0, 126], sizes = [4, 64, 2], strides = [1, 1, 1]} : vector<4x64x128xi32> to vector<4x64x2xi32>
    %slice3A_62 = vector.extract_strided_slice %select_n3A_35 {offsets = [0, 0, 0], sizes = [4, 64, 126], strides = [1, 1, 1]} : vector<4x64x128xi32> to vector<4x64x126xi32>
    %concatenate3A_63 = tpu.concatenate %slice3A_61, %slice3A_62 in 2 : vector<4x64x2xi32>, vector<4x64x126xi32> -> vector<4x64x128xi32>
    %select_n3A_64 = arith.select %eq3A_50, %concatenate3A_60, %concatenate3A_63 : vector<4x64x128xi1>, vector<4x64x128xi32>
    %ne3A_65 = arith.xori %eq3A_50, %eq3A_44 : vector<4x64x128xi1>
    %lt3A_66 = arith.cmpi ult, %select_n3A_57, %select_n3A_34 : vector<4x64x128xi32>
    %and3A_67 = arith.andi %ne3A_65, %lt3A_66 : vector<4x64x128xi1>
    %not3A_68 = arith.constant dense<true> : vector<4x64x128xi1>
    %not3A_69 = arith.xori %ne3A_65, %not3A_68 : vector<4x64x128xi1>
    %gt3A_70 = arith.cmpi ugt, %select_n3A_57, %select_n3A_34 : vector<4x64x128xi32>
    %and3A_71 = arith.andi %not3A_69, %gt3A_70 : vector<4x64x128xi1>
    %or3A_72 = arith.ori %and3A_67, %and3A_71 : vector<4x64x128xi1>
    %select_n3A_73 = arith.select %or3A_72, %select_n3A_57, %select_n3A_34 : vector<4x64x128xi1>, vector<4x64x128xi32>
    %select_n3A_74 = arith.select %or3A_72, %select_n3A_64, %select_n3A_35 : vector<4x64x128xi1>, vector<4x64x128xi32>
    %and3A_75 = arith.constant 1 : i32
    %and3A_76 = vector.broadcast %and3A_75 : i32 to vector<4x64x128xi32>
    %and3A_77 = arith.andi %iota3A, %and3A_76 : vector<4x64x128xi32>
    %eq3A_78 = arith.constant 0 : i32
    %eq3A_79 = vector.broadcast %eq3A_78 : i32 to vector<4x64x128xi32>
    %eq3A_80 = arith.cmpi eq, %and3A_77, %eq3A_79 : vector<4x64x128xi32>
    %slice3A_81 = vector.extract_strided_slice %select_n3A_73 {offsets = [0, 0, 1], sizes = [4, 64, 127], strides = [1, 1, 1]} : vector<4x64x128xi32> to vector<4x64x127xi32>
    %slice3A_82 = vector.extract_strided_slice %select_n3A_73 {offsets = [0, 0, 0], sizes = [4, 64, 1], strides = [1, 1, 1]} : vector<4x64x128xi32> to vector<4x64x1xi32>
    %concatenate3A_83 = tpu.concatenate %slice3A_81, %slice3A_82 in 2 : vector<4x64x127xi32>, vector<4x64x1xi32> -> vector<4x64x128xi32>
    %slice3A_84 = vector.extract_strided_slice %select_n3A_73 {offsets = [0, 0, 127], sizes = [4, 64, 1], strides = [1, 1, 1]} : vector<4x64x128xi32> to vector<4x64x1xi32>
    %slice3A_85 = vector.extract_strided_slice %select_n3A_73 {offsets = [0, 0, 0], sizes = [4, 64, 127], strides = [1, 1, 1]} : vector<4x64x128xi32> to vector<4x64x127xi32>
    %concatenate3A_86 = tpu.concatenate %slice3A_84, %slice3A_85 in 2 : vector<4x64x1xi32>, vector<4x64x127xi32> -> vector<4x64x128xi32>
    %select_n3A_87 = arith.select %eq3A_80, %concatenate3A_83, %concatenate3A_86 : vector<4x64x128xi1>, vector<4x64x128xi32>
    %slice3A_88 = vector.extract_strided_slice %select_n3A_74 {offsets = [0, 0, 1], sizes = [4, 64, 127], strides = [1, 1, 1]} : vector<4x64x128xi32> to vector<4x64x127xi32>
    %slice3A_89 = vector.extract_strided_slice %select_n3A_74 {offsets = [0, 0, 0], sizes = [4, 64, 1], strides = [1, 1, 1]} : vector<4x64x128xi32> to vector<4x64x1xi32>
    %concatenate3A_90 = tpu.concatenate %slice3A_88, %slice3A_89 in 2 : vector<4x64x127xi32>, vector<4x64x1xi32> -> vector<4x64x128xi32>
    %slice3A_91 = vector.extract_strided_slice %select_n3A_74 {offsets = [0, 0, 127], sizes = [4, 64, 1], strides = [1, 1, 1]} : vector<4x64x128xi32> to vector<4x64x1xi32>
    %slice3A_92 = vector.extract_strided_slice %select_n3A_74 {offsets = [0, 0, 0], sizes = [4, 64, 127], strides = [1, 1, 1]} : vector<4x64x128xi32> to vector<4x64x127xi32>
    %concatenate3A_93 = tpu.concatenate %slice3A_91, %slice3A_92 in 2 : vector<4x64x1xi32>, vector<4x64x127xi32> -> vector<4x64x128xi32>
    %select_n3A_94 = arith.select %eq3A_80, %concatenate3A_90, %concatenate3A_93 : vector<4x64x128xi1>, vector<4x64x128xi32>
    %ne3A_95 = arith.xori %eq3A_80, %eq3A_44 : vector<4x64x128xi1>
    %lt3A_96 = arith.cmpi ult, %select_n3A_87, %select_n3A_73 : vector<4x64x128xi32>
    %and3A_97 = arith.andi %ne3A_95, %lt3A_96 : vector<4x64x128xi1>
    %not3A_98 = arith.constant dense<true> : vector<4x64x128xi1>
    %not3A_99 = arith.xori %ne3A_95, %not3A_98 : vector<4x64x128xi1>
    %gt3A_100 = arith.cmpi ugt, %select_n3A_87, %select_n3A_73 : vector<4x64x128xi32>
    %and3A_101 = arith.andi %not3A_99, %gt3A_100 : vector<4x64x128xi1>
    %or3A_102 = arith.ori %and3A_97, %and3A_101 : vector<4x64x128xi1>
    %select_n3A_103 = arith.select %or3A_102, %select_n3A_87, %select_n3A_73 : vector<4x64x128xi1>, vector<4x64x128xi32>
    %select_n3A_104 = arith.select %or3A_102, %select_n3A_94, %select_n3A_74 : vector<4x64x128xi1>, vector<4x64x128xi32>
    %shift_right_arithmetic3A_105 = arith.constant 3 : i32
    %shift_right_arithmetic3A_106 = vector.broadcast %shift_right_arithmetic3A_105 : i32 to vector<4x64x128xi32>
    %shift_right_arithmetic3A_107 = arith.shrsi %iota3A, %shift_right_arithmetic3A_106 : vector<4x64x128xi32>
    %and3A_108 = arith.constant 1 : i32
    %and3A_109 = vector.broadcast %and3A_108 : i32 to vector<4x64x128xi32>
    %and3A_110 = arith.andi %shift_right_arithmetic3A_107, %and3A_109 : vector<4x64x128xi32>
    %eq3A_111 = arith.constant 1 : i32
    %eq3A_112 = vector.broadcast %eq3A_111 : i32 to vector<4x64x128xi32>
    %eq3A_113 = arith.cmpi eq, %and3A_110, %eq3A_112 : vector<4x64x128xi32>
    %and3A_114 = arith.constant 4 : i32
    %and3A_115 = vector.broadcast %and3A_114 : i32 to vector<4x64x128xi32>
    %and3A_116 = arith.andi %iota3A, %and3A_115 : vector<4x64x128xi32>
    %eq3A_117 = arith.constant 0 : i32
    %eq3A_118 = vector.broadcast %eq3A_117 : i32 to vector<4x64x128xi32>
    %eq3A_119 = arith.cmpi eq, %and3A_116, %eq3A_118 : vector<4x64x128xi32>
    %slice3A_120 = vector.extract_strided_slice %select_n3A_103 {offsets = [0, 0, 4], sizes = [4, 64, 124], strides = [1, 1, 1]} : vector<4x64x128xi32> to vector<4x64x124xi32>
    %slice3A_121 = vector.extract_strided_slice %select_n3A_103 {offsets = [0, 0, 0], sizes = [4, 64, 4], strides = [1, 1, 1]} : vector<4x64x128xi32> to vector<4x64x4xi32>
    %concatenate3A_122 = tpu.concatenate %slice3A_120, %slice3A_121 in 2 : vector<4x64x124xi32>, vector<4x64x4xi32> -> vector<4x64x128xi32>
    %slice3A_123 = vector.extract_strided_slice %select_n3A_103 {offsets = [0, 0, 124], sizes = [4, 64, 4], strides = [1, 1, 1]} : vector<4x64x128xi32> to vector<4x64x4xi32>
    %slice3A_124 = vector.extract_strided_slice %select_n3A_103 {offsets = [0, 0, 0], sizes = [4, 64, 124], strides = [1, 1, 1]} : vector<4x64x128xi32> to vector<4x64x124xi32>
    %concatenate3A_125 = tpu.concatenate %slice3A_123, %slice3A_124 in 2 : vector<4x64x4xi32>, vector<4x64x124xi32> -> vector<4x64x128xi32>
    %select_n3A_126 = arith.select %eq3A_119, %concatenate3A_122, %concatenate3A_125 : vector<4x64x128xi1>, vector<4x64x128xi32>
    %slice3A_127 = vector.extract_strided_slice %select_n3A_104 {offsets = [0, 0, 4], sizes = [4, 64, 124], strides = [1, 1, 1]} : vector<4x64x128xi32> to vector<4x64x124xi32>
    %slice3A_128 = vector.extract_strided_slice %select_n3A_104 {offsets = [0, 0, 0], sizes = [4, 64, 4], strides = [1, 1, 1]} : vector<4x64x128xi32> to vector<4x64x4xi32>
    %concatenate3A_129 = tpu.concatenate %slice3A_127, %slice3A_128 in 2 : vector<4x64x124xi32>, vector<4x64x4xi32> -> vector<4x64x128xi32>
    %slice3A_130 = vector.extract_strided_slice %select_n3A_104 {offsets = [0, 0, 124], sizes = [4, 64, 4], strides = [1, 1, 1]} : vector<4x64x128xi32> to vector<4x64x4xi32>
    %slice3A_131 = vector.extract_strided_slice %select_n3A_104 {offsets = [0, 0, 0], sizes = [4, 64, 124], strides = [1, 1, 1]} : vector<4x64x128xi32> to vector<4x64x124xi32>
    %concatenate3A_132 = tpu.concatenate %slice3A_130, %slice3A_131 in 2 : vector<4x64x4xi32>, vector<4x64x124xi32> -> vector<4x64x128xi32>
    %select_n3A_133 = arith.select %eq3A_119, %concatenate3A_129, %concatenate3A_132 : vector<4x64x128xi1>, vector<4x64x128xi32>
    %ne3A_134 = arith.xori %eq3A_119, %eq3A_113 : vector<4x64x128xi1>
    %lt3A_135 = arith.cmpi ult, %select_n3A_126, %select_n3A_103 : vector<4x64x128xi32>
    %and3A_136 = arith.andi %ne3A_134, %lt3A_135 : vector<4x64x128xi1>
    %not3A_137 = arith.constant dense<true> : vector<4x64x128xi1>
    %not3A_138 = arith.xori %ne3A_134, %not3A_137 : vector<4x64x128xi1>
    %gt3A_139 = arith.cmpi ugt, %select_n3A_126, %select_n3A_103 : vector<4x64x128xi32>
    %and3A_140 = arith.andi %not3A_138, %gt3A_139 : vector<4x64x128xi1>
    %or3A_141 = arith.ori %and3A_136, %and3A_140 : vector<4x64x128xi1>
    %select_n3A_142 = arith.select %or3A_141, %select_n3A_126, %select_n3A_103 : vector<4x64x128xi1>, vector<4x64x128xi32>
    %select_n3A_143 = arith.select %or3A_141, %select_n3A_133, %select_n3A_104 : vector<4x64x128xi1>, vector<4x64x128xi32>
    %and3A_144 = arith.constant 2 : i32
    %and3A_145 = vector.broadcast %and3A_144 : i32 to vector<4x64x128xi32>
    %and3A_146 = arith.andi %iota3A, %and3A_145 : vector<4x64x128xi32>
    %eq3A_147 = arith.constant 0 : i32
    %eq3A_148 = vector.broadcast %eq3A_147 : i32 to vector<4x64x128xi32>
    %eq3A_149 = arith.cmpi eq, %and3A_146, %eq3A_148 : vector<4x64x128xi32>
    %slice3A_150 = vector.extract_strided_slice %select_n3A_142 {offsets = [0, 0, 2], sizes = [4, 64, 126], strides = [1, 1, 1]} : vector<4x64x128xi32> to vector<4x64x126xi32>
    %slice3A_151 = vector.extract_strided_slice %select_n3A_142 {offsets = [0, 0, 0], sizes = [4, 64, 2], strides = [1, 1, 1]} : vector<4x64x128xi32> to vector<4x64x2xi32>
    %concatenate3A_152 = tpu.concatenate %slice3A_150, %slice3A_151 in 2 : vector<4x64x126xi32>, vector<4x64x2xi32> -> vector<4x64x128xi32>
    %slice3A_153 = vector.extract_strided_slice %select_n3A_142 {offsets = [0, 0, 126], sizes = [4, 64, 2], strides = [1, 1, 1]} : vector<4x64x128xi32> to vector<4x64x2xi32>
    %slice3A_154 = vector.extract_strided_slice %select_n3A_142 {offsets = [0, 0, 0], sizes = [4, 64, 126], strides = [1, 1, 1]} : vector<4x64x128xi32> to vector<4x64x126xi32>
    %concatenate3A_155 = tpu.concatenate %slice3A_153, %slice3A_154 in 2 : vector<4x64x2xi32>, vector<4x64x126xi32> -> vector<4x64x128xi32>
    %select_n3A_156 = arith.select %eq3A_149, %concatenate3A_152, %concatenate3A_155 : vector<4x64x128xi1>, vector<4x64x128xi32>
    %slice3A_157 = vector.extract_strided_slice %select_n3A_143 {offsets = [0, 0, 2], sizes = [4, 64, 126], strides = [1, 1, 1]} : vector<4x64x128xi32> to vector<4x64x126xi32>
    %slice3A_158 = vector.extract_strided_slice %select_n3A_143 {offsets = [0, 0, 0], sizes = [4, 64, 2], strides = [1, 1, 1]} : vector<4x64x128xi32> to vector<4x64x2xi32>
    %concatenate3A_159 = tpu.concatenate %slice3A_157, %slice3A_158 in 2 : vector<4x64x126xi32>, vector<4x64x2xi32> -> vector<4x64x128xi32>
    %slice3A_160 = vector.extract_strided_slice %select_n3A_143 {offsets = [0, 0, 126], sizes = [4, 64, 2], strides = [1, 1, 1]} : vector<4x64x128xi32> to vector<4x64x2xi32>
    %slice3A_161 = vector.extract_strided_slice %select_n3A_143 {offsets = [0, 0, 0], sizes = [4, 64, 126], strides = [1, 1, 1]} : vector<4x64x128xi32> to vector<4x64x126xi32>
    %concatenate3A_162 = tpu.concatenate %slice3A_160, %slice3A_161 in 2 : vector<4x64x2xi32>, vector<4x64x126xi32> -> vector<4x64x128xi32>
    %select_n3A_163 = arith.select %eq3A_149, %concatenate3A_159, %concatenate3A_162 : vector<4x64x128xi1>, vector<4x64x128xi32>
    %ne3A_164 = arith.xori %eq3A_149, %eq3A_113 : vector<4x64x128xi1>
    %lt3A_165 = arith.cmpi ult, %select_n3A_156, %select_n3A_142 : vector<4x64x128xi32>
    %and3A_166 = arith.andi %ne3A_164, %lt3A_165 : vector<4x64x128xi1>
    %not3A_167 = arith.constant dense<true> : vector<4x64x128xi1>
    %not3A_168 = arith.xori %ne3A_164, %not3A_167 : vector<4x64x128xi1>
    %gt3A_169 = arith.cmpi ugt, %select_n3A_156, %select_n3A_142 : vector<4x64x128xi32>
    %and3A_170 = arith.andi %not3A_168, %gt3A_169 : vector<4x64x128xi1>
    %or3A_171 = arith.ori %and3A_166, %and3A_170 : vector<4x64x128xi1>
    %select_n3A_172 = arith.select %or3A_171, %select_n3A_156, %select_n3A_142 : vector<4x64x128xi1>, vector<4x64x128xi32>
    %select_n3A_173 = arith.select %or3A_171, %select_n3A_163, %select_n3A_143 : vector<4x64x128xi1>, vector<4x64x128xi32>
    %and3A_174 = arith.constant 1 : i32
    %and3A_175 = vector.broadcast %and3A_174 : i32 to vector<4x64x128xi32>
    %and3A_176 = arith.andi %iota3A, %and3A_175 : vector<4x64x128xi32>
    %eq3A_177 = arith.constant 0 : i32
    %eq3A_178 = vector.broadcast %eq3A_177 : i32 to vector<4x64x128xi32>
    %eq3A_179 = arith.cmpi eq, %and3A_176, %eq3A_178 : vector<4x64x128xi32>
    %slice3A_180 = vector.extract_strided_slice %select_n3A_172 {offsets = [0, 0, 1], sizes = [4, 64, 127], strides = [1, 1, 1]} : vector<4x64x128xi32> to vector<4x64x127xi32>
    %slice3A_181 = vector.extract_strided_slice %select_n3A_172 {offsets = [0, 0, 0], sizes = [4, 64, 1], strides = [1, 1, 1]} : vector<4x64x128xi32> to vector<4x64x1xi32>
    %concatenate3A_182 = tpu.concatenate %slice3A_180, %slice3A_181 in 2 : vector<4x64x127xi32>, vector<4x64x1xi32> -> vector<4x64x128xi32>
    %slice3A_183 = vector.extract_strided_slice %select_n3A_172 {offsets = [0, 0, 127], sizes = [4, 64, 1], strides = [1, 1, 1]} : vector<4x64x128xi32> to vector<4x64x1xi32>
    %slice3A_184 = vector.extract_strided_slice %select_n3A_172 {offsets = [0, 0, 0], sizes = [4, 64, 127], strides = [1, 1, 1]} : vector<4x64x128xi32> to vector<4x64x127xi32>
    %concatenate3A_185 = tpu.concatenate %slice3A_183, %slice3A_184 in 2 : vector<4x64x1xi32>, vector<4x64x127xi32> -> vector<4x64x128xi32>
    %select_n3A_186 = arith.select %eq3A_179, %concatenate3A_182, %concatenate3A_185 : vector<4x64x128xi1>, vector<4x64x128xi32>
    %slice3A_187 = vector.extract_strided_slice %select_n3A_173 {offsets = [0, 0, 1], sizes = [4, 64, 127], strides = [1, 1, 1]} : vector<4x64x128xi32> to vector<4x64x127xi32>
    %slice3A_188 = vector.extract_strided_slice %select_n3A_173 {offsets = [0, 0, 0], sizes = [4, 64, 1], strides = [1, 1, 1]} : vector<4x64x128xi32> to vector<4x64x1xi32>
    %concatenate3A_189 = tpu.concatenate %slice3A_187, %slice3A_188 in 2 : vector<4x64x127xi32>, vector<4x64x1xi32> -> vector<4x64x128xi32>
    %slice3A_190 = vector.extract_strided_slice %select_n3A_173 {offsets = [0, 0, 127], sizes = [4, 64, 1], strides = [1, 1, 1]} : vector<4x64x128xi32> to vector<4x64x1xi32>
    %slice3A_191 = vector.extract_strided_slice %select_n3A_173 {offsets = [0, 0, 0], sizes = [4, 64, 127], strides = [1, 1, 1]} : vector<4x64x128xi32> to vector<4x64x127xi32>
    %concatenate3A_192 = tpu.concatenate %slice3A_190, %slice3A_191 in 2 : vector<4x64x1xi32>, vector<4x64x127xi32> -> vector<4x64x128xi32>
    %select_n3A_193 = arith.select %eq3A_179, %concatenate3A_189, %concatenate3A_192 : vector<4x64x128xi1>, vector<4x64x128xi32>
    %ne3A_194 = arith.xori %eq3A_179, %eq3A_113 : vector<4x64x128xi1>
    %lt3A_195 = arith.cmpi ult, %select_n3A_186, %select_n3A_172 : vector<4x64x128xi32>
    %and3A_196 = arith.andi %ne3A_194, %lt3A_195 : vector<4x64x128xi1>
    %not3A_197 = arith.constant dense<true> : vector<4x64x128xi1>
    %not3A_198 = arith.xori %ne3A_194, %not3A_197 : vector<4x64x128xi1>
    %gt3A_199 = arith.cmpi ugt, %select_n3A_186, %select_n3A_172 : vector<4x64x128xi32>
    %and3A_200 = arith.andi %not3A_198, %gt3A_199 : vector<4x64x128xi1>
    %or3A_201 = arith.ori %and3A_196, %and3A_200 : vector<4x64x128xi1>
    %select_n3A_202 = arith.select %or3A_201, %select_n3A_186, %select_n3A_172 : vector<4x64x128xi1>, vector<4x64x128xi32>
    %select_n3A_203 = arith.select %or3A_201, %select_n3A_193, %select_n3A_173 : vector<4x64x128xi1>, vector<4x64x128xi32>
    %broadcast_in_dim3A = arith.constant false
    %broadcast_in_dim3A_204 = vector.broadcast %broadcast_in_dim3A : i1 to vector<4x64x128xi1>
    %and3A_205 = arith.constant 8 : i32
    %and3A_206 = vector.broadcast %and3A_205 : i32 to vector<4x64x128xi32>
    %and3A_207 = arith.andi %iota3A, %and3A_206 : vector<4x64x128xi32>
    %eq3A_208 = arith.constant 0 : i32
    %eq3A_209 = vector.broadcast %eq3A_208 : i32 to vector<4x64x128xi32>
    %eq3A_210 = arith.cmpi eq, %and3A_207, %eq3A_209 : vector<4x64x128xi32>
    %slice3A_211 = vector.extract_strided_slice %select_n3A_202 {offsets = [0, 0, 8], sizes = [4, 64, 120], strides = [1, 1, 1]} : vector<4x64x128xi32> to vector<4x64x120xi32>
    %slice3A_212 = vector.extract_strided_slice %select_n3A_202 {offsets = [0, 0, 0], sizes = [4, 64, 8], strides = [1, 1, 1]} : vector<4x64x128xi32> to vector<4x64x8xi32>
    %concatenate3A_213 = tpu.concatenate %slice3A_211, %slice3A_212 in 2 : vector<4x64x120xi32>, vector<4x64x8xi32> -> vector<4x64x128xi32>
    %slice3A_214 = vector.extract_strided_slice %select_n3A_202 {offsets = [0, 0, 120], sizes = [4, 64, 8], strides = [1, 1, 1]} : vector<4x64x128xi32> to vector<4x64x8xi32>
    %slice3A_215 = vector.extract_strided_slice %select_n3A_202 {offsets = [0, 0, 0], sizes = [4, 64, 120], strides = [1, 1, 1]} : vector<4x64x128xi32> to vector<4x64x120xi32>
    %concatenate3A_216 = tpu.concatenate %slice3A_214, %slice3A_215 in 2 : vector<4x64x8xi32>, vector<4x64x120xi32> -> vector<4x64x128xi32>
    %select_n3A_217 = arith.select %eq3A_210, %concatenate3A_213, %concatenate3A_216 : vector<4x64x128xi1>, vector<4x64x128xi32>
    %slice3A_218 = vector.extract_strided_slice %select_n3A_203 {offsets = [0, 0, 8], sizes = [4, 64, 120], strides = [1, 1, 1]} : vector<4x64x128xi32> to vector<4x64x120xi32>
    %slice3A_219 = vector.extract_strided_slice %select_n3A_203 {offsets = [0, 0, 0], sizes = [4, 64, 8], strides = [1, 1, 1]} : vector<4x64x128xi32> to vector<4x64x8xi32>
    %concatenate3A_220 = tpu.concatenate %slice3A_218, %slice3A_219 in 2 : vector<4x64x120xi32>, vector<4x64x8xi32> -> vector<4x64x128xi32>
    %slice3A_221 = vector.extract_strided_slice %select_n3A_203 {offsets = [0, 0, 120], sizes = [4, 64, 8], strides = [1, 1, 1]} : vector<4x64x128xi32> to vector<4x64x8xi32>
    %slice3A_222 = vector.extract_strided_slice %select_n3A_203 {offsets = [0, 0, 0], sizes = [4, 64, 120], strides = [1, 1, 1]} : vector<4x64x128xi32> to vector<4x64x120xi32>
    %concatenate3A_223 = tpu.concatenate %slice3A_221, %slice3A_222 in 2 : vector<4x64x8xi32>, vector<4x64x120xi32> -> vector<4x64x128xi32>
    %select_n3A_224 = arith.select %eq3A_210, %concatenate3A_220, %concatenate3A_223 : vector<4x64x128xi1>, vector<4x64x128xi32>
    %ne3A_225 = arith.xori %eq3A_210, %broadcast_in_dim3A_204 : vector<4x64x128xi1>
    %lt3A_226 = arith.cmpi ult, %select_n3A_217, %select_n3A_202 : vector<4x64x128xi32>
    %and3A_227 = arith.andi %ne3A_225, %lt3A_226 : vector<4x64x128xi1>
    %not3A_228 = arith.constant dense<true> : vector<4x64x128xi1>
    %not3A_229 = arith.xori %ne3A_225, %not3A_228 : vector<4x64x128xi1>
    %gt3A_230 = arith.cmpi ugt, %select_n3A_217, %select_n3A_202 : vector<4x64x128xi32>
    %and3A_231 = arith.andi %not3A_229, %gt3A_230 : vector<4x64x128xi1>
    %or3A_232 = arith.ori %and3A_227, %and3A_231 : vector<4x64x128xi1>
    %select_n3A_233 = arith.select %or3A_232, %select_n3A_217, %select_n3A_202 : vector<4x64x128xi1>, vector<4x64x128xi32>
    %select_n3A_234 = arith.select %or3A_232, %select_n3A_224, %select_n3A_203 : vector<4x64x128xi1>, vector<4x64x128xi32>
    %and3A_235 = arith.constant 4 : i32
    %and3A_236 = vector.broadcast %and3A_235 : i32 to vector<4x64x128xi32>
    %and3A_237 = arith.andi %iota3A, %and3A_236 : vector<4x64x128xi32>
    %eq3A_238 = arith.constant 0 : i32
    %eq3A_239 = vector.broadcast %eq3A_238 : i32 to vector<4x64x128xi32>
    %eq3A_240 = arith.cmpi eq, %and3A_237, %eq3A_239 : vector<4x64x128xi32>
    %slice3A_241 = vector.extract_strided_slice %select_n3A_233 {offsets = [0, 0, 4], sizes = [4, 64, 124], strides = [1, 1, 1]} : vector<4x64x128xi32> to vector<4x64x124xi32>
    %slice3A_242 = vector.extract_strided_slice %select_n3A_233 {offsets = [0, 0, 0], sizes = [4, 64, 4], strides = [1, 1, 1]} : vector<4x64x128xi32> to vector<4x64x4xi32>
    %concatenate3A_243 = tpu.concatenate %slice3A_241, %slice3A_242 in 2 : vector<4x64x124xi32>, vector<4x64x4xi32> -> vector<4x64x128xi32>
    %slice3A_244 = vector.extract_strided_slice %select_n3A_233 {offsets = [0, 0, 124], sizes = [4, 64, 4], strides = [1, 1, 1]} : vector<4x64x128xi32> to vector<4x64x4xi32>
    %slice3A_245 = vector.extract_strided_slice %select_n3A_233 {offsets = [0, 0, 0], sizes = [4, 64, 124], strides = [1, 1, 1]} : vector<4x64x128xi32> to vector<4x64x124xi32>
    %concatenate3A_246 = tpu.concatenate %slice3A_244, %slice3A_245 in 2 : vector<4x64x4xi32>, vector<4x64x124xi32> -> vector<4x64x128xi32>
    %select_n3A_247 = arith.select %eq3A_240, %concatenate3A_243, %concatenate3A_246 : vector<4x64x128xi1>, vector<4x64x128xi32>
    %slice3A_248 = vector.extract_strided_slice %select_n3A_234 {offsets = [0, 0, 4], sizes = [4, 64, 124], strides = [1, 1, 1]} : vector<4x64x128xi32> to vector<4x64x124xi32>
    %slice3A_249 = vector.extract_strided_slice %select_n3A_234 {offsets = [0, 0, 0], sizes = [4, 64, 4], strides = [1, 1, 1]} : vector<4x64x128xi32> to vector<4x64x4xi32>
    %concatenate3A_250 = tpu.concatenate %slice3A_248, %slice3A_249 in 2 : vector<4x64x124xi32>, vector<4x64x4xi32> -> vector<4x64x128xi32>
    %slice3A_251 = vector.extract_strided_slice %select_n3A_234 {offsets = [0, 0, 124], sizes = [4, 64, 4], strides = [1, 1, 1]} : vector<4x64x128xi32> to vector<4x64x4xi32>
    %slice3A_252 = vector.extract_strided_slice %select_n3A_234 {offsets = [0, 0, 0], sizes = [4, 64, 124], strides = [1, 1, 1]} : vector<4x64x128xi32> to vector<4x64x124xi32>
    %concatenate3A_253 = tpu.concatenate %slice3A_251, %slice3A_252 in 2 : vector<4x64x4xi32>, vector<4x64x124xi32> -> vector<4x64x128xi32>
    %select_n3A_254 = arith.select %eq3A_240, %concatenate3A_250, %concatenate3A_253 : vector<4x64x128xi1>, vector<4x64x128xi32>
    %ne3A_255 = arith.xori %eq3A_240, %broadcast_in_dim3A_204 : vector<4x64x128xi1>
    %lt3A_256 = arith.cmpi ult, %select_n3A_247, %select_n3A_233 : vector<4x64x128xi32>
    %and3A_257 = arith.andi %ne3A_255, %lt3A_256 : vector<4x64x128xi1>
    %not3A_258 = arith.constant dense<true> : vector<4x64x128xi1>
    %not3A_259 = arith.xori %ne3A_255, %not3A_258 : vector<4x64x128xi1>
    %gt3A_260 = arith.cmpi ugt, %select_n3A_247, %select_n3A_233 : vector<4x64x128xi32>
    %and3A_261 = arith.andi %not3A_259, %gt3A_260 : vector<4x64x128xi1>
    %or3A_262 = arith.ori %and3A_257, %and3A_261 : vector<4x64x128xi1>
    %select_n3A_263 = arith.select %or3A_262, %select_n3A_247, %select_n3A_233 : vector<4x64x128xi1>, vector<4x64x128xi32>
    %select_n3A_264 = arith.select %or3A_262, %select_n3A_254, %select_n3A_234 : vector<4x64x128xi1>, vector<4x64x128xi32>
    %and3A_265 = arith.constant 2 : i32
    %and3A_266 = vector.broadcast %and3A_265 : i32 to vector<4x64x128xi32>
    %and3A_267 = arith.andi %iota3A, %and3A_266 : vector<4x64x128xi32>
    %eq3A_268 = arith.constant 0 : i32
    %eq3A_269 = vector.broadcast %eq3A_268 : i32 to vector<4x64x128xi32>
    %eq3A_270 = arith.cmpi eq, %and3A_267, %eq3A_269 : vector<4x64x128xi32>
    %slice3A_271 = vector.extract_strided_slice %select_n3A_263 {offsets = [0, 0, 2], sizes = [4, 64, 126], strides = [1, 1, 1]} : vector<4x64x128xi32> to vector<4x64x126xi32>
    %slice3A_272 = vector.extract_strided_slice %select_n3A_263 {offsets = [0, 0, 0], sizes = [4, 64, 2], strides = [1, 1, 1]} : vector<4x64x128xi32> to vector<4x64x2xi32>
    %concatenate3A_273 = tpu.concatenate %slice3A_271, %slice3A_272 in 2 : vector<4x64x126xi32>, vector<4x64x2xi32> -> vector<4x64x128xi32>
    %slice3A_274 = vector.extract_strided_slice %select_n3A_263 {offsets = [0, 0, 126], sizes = [4, 64, 2], strides = [1, 1, 1]} : vector<4x64x128xi32> to vector<4x64x2xi32>
    %slice3A_275 = vector.extract_strided_slice %select_n3A_263 {offsets = [0, 0, 0], sizes = [4, 64, 126], strides = [1, 1, 1]} : vector<4x64x128xi32> to vector<4x64x126xi32>
    %concatenate3A_276 = tpu.concatenate %slice3A_274, %slice3A_275 in 2 : vector<4x64x2xi32>, vector<4x64x126xi32> -> vector<4x64x128xi32>
    %select_n3A_277 = arith.select %eq3A_270, %concatenate3A_273, %concatenate3A_276 : vector<4x64x128xi1>, vector<4x64x128xi32>
    %slice3A_278 = vector.extract_strided_slice %select_n3A_264 {offsets = [0, 0, 2], sizes = [4, 64, 126], strides = [1, 1, 1]} : vector<4x64x128xi32> to vector<4x64x126xi32>
    %slice3A_279 = vector.extract_strided_slice %select_n3A_264 {offsets = [0, 0, 0], sizes = [4, 64, 2], strides = [1, 1, 1]} : vector<4x64x128xi32> to vector<4x64x2xi32>
    %concatenate3A_280 = tpu.concatenate %slice3A_278, %slice3A_279 in 2 : vector<4x64x126xi32>, vector<4x64x2xi32> -> vector<4x64x128xi32>
    %slice3A_281 = vector.extract_strided_slice %select_n3A_264 {offsets = [0, 0, 126], sizes = [4, 64, 2], strides = [1, 1, 1]} : vector<4x64x128xi32> to vector<4x64x2xi32>
    %slice3A_282 = vector.extract_strided_slice %select_n3A_264 {offsets = [0, 0, 0], sizes = [4, 64, 126], strides = [1, 1, 1]} : vector<4x64x128xi32> to vector<4x64x126xi32>
    %concatenate3A_283 = tpu.concatenate %slice3A_281, %slice3A_282 in 2 : vector<4x64x2xi32>, vector<4x64x126xi32> -> vector<4x64x128xi32>
    %select_n3A_284 = arith.select %eq3A_270, %concatenate3A_280, %concatenate3A_283 : vector<4x64x128xi1>, vector<4x64x128xi32>
    %ne3A_285 = arith.xori %eq3A_270, %broadcast_in_dim3A_204 : vector<4x64x128xi1>
    %lt3A_286 = arith.cmpi ult, %select_n3A_277, %select_n3A_263 : vector<4x64x128xi32>
    %and3A_287 = arith.andi %ne3A_285, %lt3A_286 : vector<4x64x128xi1>
    %not3A_288 = arith.constant dense<true> : vector<4x64x128xi1>
    %not3A_289 = arith.xori %ne3A_285, %not3A_288 : vector<4x64x128xi1>
    %gt3A_290 = arith.cmpi ugt, %select_n3A_277, %select_n3A_263 : vector<4x64x128xi32>
    %and3A_291 = arith.andi %not3A_289, %gt3A_290 : vector<4x64x128xi1>
    %or3A_292 = arith.ori %and3A_287, %and3A_291 : vector<4x64x128xi1>
    %select_n3A_293 = arith.select %or3A_292, %select_n3A_277, %select_n3A_263 : vector<4x64x128xi1>, vector<4x64x128xi32>
    %select_n3A_294 = arith.select %or3A_292, %select_n3A_284, %select_n3A_264 : vector<4x64x128xi1>, vector<4x64x128xi32>
    %and3A_295 = arith.constant 1 : i32
    %and3A_296 = vector.broadcast %and3A_295 : i32 to vector<4x64x128xi32>
    %and3A_297 = arith.andi %iota3A, %and3A_296 : vector<4x64x128xi32>
    %eq3A_298 = arith.constant 0 : i32
    %eq3A_299 = vector.broadcast %eq3A_298 : i32 to vector<4x64x128xi32>
    %eq3A_300 = arith.cmpi eq, %and3A_297, %eq3A_299 : vector<4x64x128xi32>
    %slice3A_301 = vector.extract_strided_slice %select_n3A_293 {offsets = [0, 0, 1], sizes = [4, 64, 127], strides = [1, 1, 1]} : vector<4x64x128xi32> to vector<4x64x127xi32>
    %slice3A_302 = vector.extract_strided_slice %select_n3A_293 {offsets = [0, 0, 0], sizes = [4, 64, 1], strides = [1, 1, 1]} : vector<4x64x128xi32> to vector<4x64x1xi32>
    %concatenate3A_303 = tpu.concatenate %slice3A_301, %slice3A_302 in 2 : vector<4x64x127xi32>, vector<4x64x1xi32> -> vector<4x64x128xi32>
    %slice3A_304 = vector.extract_strided_slice %select_n3A_293 {offsets = [0, 0, 127], sizes = [4, 64, 1], strides = [1, 1, 1]} : vector<4x64x128xi32> to vector<4x64x1xi32>
    %slice3A_305 = vector.extract_strided_slice %select_n3A_293 {offsets = [0, 0, 0], sizes = [4, 64, 127], strides = [1, 1, 1]} : vector<4x64x128xi32> to vector<4x64x127xi32>
    %concatenate3A_306 = tpu.concatenate %slice3A_304, %slice3A_305 in 2 : vector<4x64x1xi32>, vector<4x64x127xi32> -> vector<4x64x128xi32>
    %select_n3A_307 = arith.select %eq3A_300, %concatenate3A_303, %concatenate3A_306 : vector<4x64x128xi1>, vector<4x64x128xi32>
    %slice3A_308 = vector.extract_strided_slice %select_n3A_294 {offsets = [0, 0, 1], sizes = [4, 64, 127], strides = [1, 1, 1]} : vector<4x64x128xi32> to vector<4x64x127xi32>
    %slice3A_309 = vector.extract_strided_slice %select_n3A_294 {offsets = [0, 0, 0], sizes = [4, 64, 1], strides = [1, 1, 1]} : vector<4x64x128xi32> to vector<4x64x1xi32>
    %concatenate3A_310 = tpu.concatenate %slice3A_308, %slice3A_309 in 2 : vector<4x64x127xi32>, vector<4x64x1xi32> -> vector<4x64x128xi32>
    %slice3A_311 = vector.extract_strided_slice %select_n3A_294 {offsets = [0, 0, 127], sizes = [4, 64, 1], strides = [1, 1, 1]} : vector<4x64x128xi32> to vector<4x64x1xi32>
    %slice3A_312 = vector.extract_strided_slice %select_n3A_294 {offsets = [0, 0, 0], sizes = [4, 64, 127], strides = [1, 1, 1]} : vector<4x64x128xi32> to vector<4x64x127xi32>
    %concatenate3A_313 = tpu.concatenate %slice3A_311, %slice3A_312 in 2 : vector<4x64x1xi32>, vector<4x64x127xi32> -> vector<4x64x128xi32>
    %select_n3A_314 = arith.select %eq3A_300, %concatenate3A_310, %concatenate3A_313 : vector<4x64x128xi1>, vector<4x64x128xi32>
    %ne3A_315 = arith.xori %eq3A_300, %broadcast_in_dim3A_204 : vector<4x64x128xi1>
    %lt3A_316 = arith.cmpi ult, %select_n3A_307, %select_n3A_293 : vector<4x64x128xi32>
    %and3A_317 = arith.andi %ne3A_315, %lt3A_316 : vector<4x64x128xi1>
    %not3A_318 = arith.constant dense<true> : vector<4x64x128xi1>
    %not3A_319 = arith.xori %ne3A_315, %not3A_318 : vector<4x64x128xi1>
    %gt3A_320 = arith.cmpi ugt, %select_n3A_307, %select_n3A_293 : vector<4x64x128xi32>
    %and3A_321 = arith.andi %not3A_319, %gt3A_320 : vector<4x64x128xi1>
    %or3A_322 = arith.ori %and3A_317, %and3A_321 : vector<4x64x128xi1>
    %select_n3A_323 = arith.select %or3A_322, %select_n3A_307, %select_n3A_293 : vector<4x64x128xi1>, vector<4x64x128xi32>
    %select_n3A_324 = arith.select %or3A_322, %select_n3A_314, %select_n3A_294 : vector<4x64x128xi1>, vector<4x64x128xi32>
    %slice3A_325 = vector.extract_strided_slice %select_n3A_323 {offsets = [0, 0, 8], sizes = [4, 64, 120], strides = [1, 1, 1]} : vector<4x64x128xi32> to vector<4x64x120xi32>
    %slice3A_326 = vector.extract_strided_slice %select_n3A_323 {offsets = [0, 0, 0], sizes = [4, 64, 8], strides = [1, 1, 1]} : vector<4x64x128xi32> to vector<4x64x8xi32>
    %concatenate3A_327 = tpu.concatenate %slice3A_325, %slice3A_326 in 2 : vector<4x64x120xi32>, vector<4x64x8xi32> -> vector<4x64x128xi32>
    %slice3A_328 = vector.extract_strided_slice %concatenate3A_327 {offsets = [0, 1, 0], sizes = [4, 63, 128], strides = [1, 1, 1]} : vector<4x64x128xi32> to vector<4x63x128xi32>
    %slice3A_329 = vector.extract_strided_slice %concatenate3A_327 {offsets = [0, 0, 0], sizes = [4, 1, 128], strides = [1, 1, 1]} : vector<4x64x128xi32> to vector<4x1x128xi32>
    %concatenate3A_330 = tpu.concatenate %slice3A_328, %slice3A_329 in 1 : vector<4x63x128xi32>, vector<4x1x128xi32> -> vector<4x64x128xi32>
    %lt3A_331 = arith.constant 120 : i32
    %lt3A_332 = vector.broadcast %lt3A_331 : i32 to vector<4x64x128xi32>
    %lt3A_333 = arith.cmpi slt, %iota3A, %lt3A_332 : vector<4x64x128xi32>
    %select_n3A_334 = arith.select %lt3A_333, %concatenate3A_327, %concatenate3A_330 : vector<4x64x128xi1>, vector<4x64x128xi32>
    %slice3A_335 = vector.extract_strided_slice %select_n3A_324 {offsets = [0, 0, 8], sizes = [4, 64, 120], strides = [1, 1, 1]} : vector<4x64x128xi32> to vector<4x64x120xi32>
    %slice3A_336 = vector.extract_strided_slice %select_n3A_324 {offsets = [0, 0, 0], sizes = [4, 64, 8], strides = [1, 1, 1]} : vector<4x64x128xi32> to vector<4x64x8xi32>
    %concatenate3A_337 = tpu.concatenate %slice3A_335, %slice3A_336 in 2 : vector<4x64x120xi32>, vector<4x64x8xi32> -> vector<4x64x128xi32>
    %slice3A_338 = vector.extract_strided_slice %concatenate3A_337 {offsets = [0, 1, 0], sizes = [4, 63, 128], strides = [1, 1, 1]} : vector<4x64x128xi32> to vector<4x63x128xi32>
    %slice3A_339 = vector.extract_strided_slice %concatenate3A_337 {offsets = [0, 0, 0], sizes = [4, 1, 128], strides = [1, 1, 1]} : vector<4x64x128xi32> to vector<4x1x128xi32>
    %concatenate3A_340 = tpu.concatenate %slice3A_338, %slice3A_339 in 1 : vector<4x63x128xi32>, vector<4x1x128xi32> -> vector<4x64x128xi32>
    %lt3A_341 = arith.constant 120 : i32
    %lt3A_342 = vector.broadcast %lt3A_341 : i32 to vector<4x64x128xi32>
    %lt3A_343 = arith.cmpi slt, %iota3A, %lt3A_342 : vector<4x64x128xi32>
    %select_n3A_344 = arith.select %lt3A_343, %concatenate3A_337, %concatenate3A_340 : vector<4x64x128xi1>, vector<4x64x128xi32>
    %shift_right_arithmetic3A_345 = arith.constant 1 : i32
    %shift_right_arithmetic3A_346 = vector.broadcast %shift_right_arithmetic3A_345 : i32 to vector<4x64x128xi32>
    %shift_right_arithmetic3A_347 = arith.shrsi %iota3A, %shift_right_arithmetic3A_346 : vector<4x64x128xi32>
    %and3A_348 = arith.constant 1 : i32
    %and3A_349 = vector.broadcast %and3A_348 : i32 to vector<4x64x128xi32>
    %and3A_350 = arith.andi %shift_right_arithmetic3A_347, %and3A_349 : vector<4x64x128xi32>
    %eq3A_351 = arith.constant 1 : i32
    %eq3A_352 = vector.broadcast %eq3A_351 : i32 to vector<4x64x128xi32>
    %eq3A_353 = arith.cmpi eq, %and3A_350, %eq3A_352 : vector<4x64x128xi32>
    %and3A_354 = arith.constant 1 : i32
    %and3A_355 = vector.broadcast %and3A_354 : i32 to vector<4x64x128xi32>
    %and3A_356 = arith.andi %iota3A, %and3A_355 : vector<4x64x128xi32>
    %eq3A_357 = arith.constant 0 : i32
    %eq3A_358 = vector.broadcast %eq3A_357 : i32 to vector<4x64x128xi32>
    %eq3A_359 = arith.cmpi eq, %and3A_356, %eq3A_358 : vector<4x64x128xi32>
    %slice3A_360 = vector.extract_strided_slice %select_n3A_334 {offsets = [0, 0, 1], sizes = [4, 64, 127], strides = [1, 1, 1]} : vector<4x64x128xi32> to vector<4x64x127xi32>
    %slice3A_361 = vector.extract_strided_slice %select_n3A_334 {offsets = [0, 0, 0], sizes = [4, 64, 1], strides = [1, 1, 1]} : vector<4x64x128xi32> to vector<4x64x1xi32>
    %concatenate3A_362 = tpu.concatenate %slice3A_360, %slice3A_361 in 2 : vector<4x64x127xi32>, vector<4x64x1xi32> -> vector<4x64x128xi32>
    %slice3A_363 = vector.extract_strided_slice %select_n3A_334 {offsets = [0, 0, 127], sizes = [4, 64, 1], strides = [1, 1, 1]} : vector<4x64x128xi32> to vector<4x64x1xi32>
    %slice3A_364 = vector.extract_strided_slice %select_n3A_334 {offsets = [0, 0, 0], sizes = [4, 64, 127], strides = [1, 1, 1]} : vector<4x64x128xi32> to vector<4x64x127xi32>
    %concatenate3A_365 = tpu.concatenate %slice3A_363, %slice3A_364 in 2 : vector<4x64x1xi32>, vector<4x64x127xi32> -> vector<4x64x128xi32>
    %select_n3A_366 = arith.select %eq3A_359, %concatenate3A_362, %concatenate3A_365 : vector<4x64x128xi1>, vector<4x64x128xi32>
    %slice3A_367 = vector.extract_strided_slice %select_n3A_344 {offsets = [0, 0, 1], sizes = [4, 64, 127], strides = [1, 1, 1]} : vector<4x64x128xi32> to vector<4x64x127xi32>
    %slice3A_368 = vector.extract_strided_slice %select_n3A_344 {offsets = [0, 0, 0], sizes = [4, 64, 1], strides = [1, 1, 1]} : vector<4x64x128xi32> to vector<4x64x1xi32>
    %concatenate3A_369 = tpu.concatenate %slice3A_367, %slice3A_368 in 2 : vector<4x64x127xi32>, vector<4x64x1xi32> -> vector<4x64x128xi32>
    %slice3A_370 = vector.extract_strided_slice %select_n3A_344 {offsets = [0, 0, 127], sizes = [4, 64, 1], strides = [1, 1, 1]} : vector<4x64x128xi32> to vector<4x64x1xi32>
    %slice3A_371 = vector.extract_strided_slice %select_n3A_344 {offsets = [0, 0, 0], sizes = [4, 64, 127], strides = [1, 1, 1]} : vector<4x64x128xi32> to vector<4x64x127xi32>
    %concatenate3A_372 = tpu.concatenate %slice3A_370, %slice3A_371 in 2 : vector<4x64x1xi32>, vector<4x64x127xi32> -> vector<4x64x128xi32>
    %select_n3A_373 = arith.select %eq3A_359, %concatenate3A_369, %concatenate3A_372 : vector<4x64x128xi1>, vector<4x64x128xi32>
    %ne3A_374 = arith.xori %eq3A_359, %eq3A_353 : vector<4x64x128xi1>
    %lt3A_375 = arith.cmpi ult, %select_n3A_366, %select_n3A_334 : vector<4x64x128xi32>
    %and3A_376 = arith.andi %ne3A_374, %lt3A_375 : vector<4x64x128xi1>
    %not3A_377 = arith.constant dense<true> : vector<4x64x128xi1>
    %not3A_378 = arith.xori %ne3A_374, %not3A_377 : vector<4x64x128xi1>
    %gt3A_379 = arith.cmpi ugt, %select_n3A_366, %select_n3A_334 : vector<4x64x128xi32>
    %and3A_380 = arith.andi %not3A_378, %gt3A_379 : vector<4x64x128xi1>
    %or3A_381 = arith.ori %and3A_376, %and3A_380 : vector<4x64x128xi1>
    %select_n3A_382 = arith.select %or3A_381, %select_n3A_366, %select_n3A_334 : vector<4x64x128xi1>, vector<4x64x128xi32>
    %select_n3A_383 = arith.select %or3A_381, %select_n3A_373, %select_n3A_344 : vector<4x64x128xi1>, vector<4x64x128xi32>
    %shift_right_arithmetic3A_384 = arith.constant 2 : i32
    %shift_right_arithmetic3A_385 = vector.broadcast %shift_right_arithmetic3A_384 : i32 to vector<4x64x128xi32>
    %shift_right_arithmetic3A_386 = arith.shrsi %iota3A, %shift_right_arithmetic3A_385 : vector<4x64x128xi32>
    %and3A_387 = arith.constant 1 : i32
    %and3A_388 = vector.broadcast %and3A_387 : i32 to vector<4x64x128xi32>
    %and3A_389 = arith.andi %shift_right_arithmetic3A_386, %and3A_388 : vector<4x64x128xi32>
    %eq3A_390 = arith.constant 1 : i32
    %eq3A_391 = vector.broadcast %eq3A_390 : i32 to vector<4x64x128xi32>
    %eq3A_392 = arith.cmpi eq, %and3A_389, %eq3A_391 : vector<4x64x128xi32>
    %and3A_393 = arith.constant 2 : i32
    %and3A_394 = vector.broadcast %and3A_393 : i32 to vector<4x64x128xi32>
    %and3A_395 = arith.andi %iota3A, %and3A_394 : vector<4x64x128xi32>
    %eq3A_396 = arith.constant 0 : i32
    %eq3A_397 = vector.broadcast %eq3A_396 : i32 to vector<4x64x128xi32>
    %eq3A_398 = arith.cmpi eq, %and3A_395, %eq3A_397 : vector<4x64x128xi32>
    %slice3A_399 = vector.extract_strided_slice %select_n3A_382 {offsets = [0, 0, 2], sizes = [4, 64, 126], strides = [1, 1, 1]} : vector<4x64x128xi32> to vector<4x64x126xi32>
    %slice3A_400 = vector.extract_strided_slice %select_n3A_382 {offsets = [0, 0, 0], sizes = [4, 64, 2], strides = [1, 1, 1]} : vector<4x64x128xi32> to vector<4x64x2xi32>
    %concatenate3A_401 = tpu.concatenate %slice3A_399, %slice3A_400 in 2 : vector<4x64x126xi32>, vector<4x64x2xi32> -> vector<4x64x128xi32>
    %slice3A_402 = vector.extract_strided_slice %select_n3A_382 {offsets = [0, 0, 126], sizes = [4, 64, 2], strides = [1, 1, 1]} : vector<4x64x128xi32> to vector<4x64x2xi32>
    %slice3A_403 = vector.extract_strided_slice %select_n3A_382 {offsets = [0, 0, 0], sizes = [4, 64, 126], strides = [1, 1, 1]} : vector<4x64x128xi32> to vector<4x64x126xi32>
    %concatenate3A_404 = tpu.concatenate %slice3A_402, %slice3A_403 in 2 : vector<4x64x2xi32>, vector<4x64x126xi32> -> vector<4x64x128xi32>
    %select_n3A_405 = arith.select %eq3A_398, %concatenate3A_401, %concatenate3A_404 : vector<4x64x128xi1>, vector<4x64x128xi32>
    %slice3A_406 = vector.extract_strided_slice %select_n3A_383 {offsets = [0, 0, 2], sizes = [4, 64, 126], strides = [1, 1, 1]} : vector<4x64x128xi32> to vector<4x64x126xi32>
    %slice3A_407 = vector.extract_strided_slice %select_n3A_383 {offsets = [0, 0, 0], sizes = [4, 64, 2], strides = [1, 1, 1]} : vector<4x64x128xi32> to vector<4x64x2xi32>
    %concatenate3A_408 = tpu.concatenate %slice3A_406, %slice3A_407 in 2 : vector<4x64x126xi32>, vector<4x64x2xi32> -> vector<4x64x128xi32>
    %slice3A_409 = vector.extract_strided_slice %select_n3A_383 {offsets = [0, 0, 126], sizes = [4, 64, 2], strides = [1, 1, 1]} : vector<4x64x128xi32> to vector<4x64x2xi32>
    %slice3A_410 = vector.extract_strided_slice %select_n3A_383 {offsets = [0, 0, 0], sizes = [4, 64, 126], strides = [1, 1, 1]} : vector<4x64x128xi32> to vector<4x64x126xi32>
    %concatenate3A_411 = tpu.concatenate %slice3A_409, %slice3A_410 in 2 : vector<4x64x2xi32>, vector<4x64x126xi32> -> vector<4x64x128xi32>
    %select_n3A_412 = arith.select %eq3A_398, %concatenate3A_408, %concatenate3A_411 : vector<4x64x128xi1>, vector<4x64x128xi32>
    %ne3A_413 = arith.xori %eq3A_398, %eq3A_392 : vector<4x64x128xi1>
    %lt3A_414 = arith.cmpi ult, %select_n3A_405, %select_n3A_382 : vector<4x64x128xi32>
    %and3A_415 = arith.andi %ne3A_413, %lt3A_414 : vector<4x64x128xi1>
    %not3A_416 = arith.constant dense<true> : vector<4x64x128xi1>
    %not3A_417 = arith.xori %ne3A_413, %not3A_416 : vector<4x64x128xi1>
    %gt3A_418 = arith.cmpi ugt, %select_n3A_405, %select_n3A_382 : vector<4x64x128xi32>
    %and3A_419 = arith.andi %not3A_417, %gt3A_418 : vector<4x64x128xi1>
    %or3A_420 = arith.ori %and3A_415, %and3A_419 : vector<4x64x128xi1>
    %select_n3A_421 = arith.select %or3A_420, %select_n3A_405, %select_n3A_382 : vector<4x64x128xi1>, vector<4x64x128xi32>
    %select_n3A_422 = arith.select %or3A_420, %select_n3A_412, %select_n3A_383 : vector<4x64x128xi1>, vector<4x64x128xi32>
    %and3A_423 = arith.constant 1 : i32
    %and3A_424 = vector.broadcast %and3A_423 : i32 to vector<4x64x128xi32>
    %and3A_425 = arith.andi %iota3A, %and3A_424 : vector<4x64x128xi32>
    %eq3A_426 = arith.constant 0 : i32
    %eq3A_427 = vector.broadcast %eq3A_426 : i32 to vector<4x64x128xi32>
    %eq3A_428 = arith.cmpi eq, %and3A_425, %eq3A_427 : vector<4x64x128xi32>
    %slice3A_429 = vector.extract_strided_slice %select_n3A_421 {offsets = [0, 0, 1], sizes = [4, 64, 127], strides = [1, 1, 1]} : vector<4x64x128xi32> to vector<4x64x127xi32>
    %slice3A_430 = vector.extract_strided_slice %select_n3A_421 {offsets = [0, 0, 0], sizes = [4, 64, 1], strides = [1, 1, 1]} : vector<4x64x128xi32> to vector<4x64x1xi32>
    %concatenate3A_431 = tpu.concatenate %slice3A_429, %slice3A_430 in 2 : vector<4x64x127xi32>, vector<4x64x1xi32> -> vector<4x64x128xi32>
    %slice3A_432 = vector.extract_strided_slice %select_n3A_421 {offsets = [0, 0, 127], sizes = [4, 64, 1], strides = [1, 1, 1]} : vector<4x64x128xi32> to vector<4x64x1xi32>
    %slice3A_433 = vector.extract_strided_slice %select_n3A_421 {offsets = [0, 0, 0], sizes = [4, 64, 127], strides = [1, 1, 1]} : vector<4x64x128xi32> to vector<4x64x127xi32>
    %concatenate3A_434 = tpu.concatenate %slice3A_432, %slice3A_433 in 2 : vector<4x64x1xi32>, vector<4x64x127xi32> -> vector<4x64x128xi32>
    %select_n3A_435 = arith.select %eq3A_428, %concatenate3A_431, %concatenate3A_434 : vector<4x64x128xi1>, vector<4x64x128xi32>
    %slice3A_436 = vector.extract_strided_slice %select_n3A_422 {offsets = [0, 0, 1], sizes = [4, 64, 127], strides = [1, 1, 1]} : vector<4x64x128xi32> to vector<4x64x127xi32>
    %slice3A_437 = vector.extract_strided_slice %select_n3A_422 {offsets = [0, 0, 0], sizes = [4, 64, 1], strides = [1, 1, 1]} : vector<4x64x128xi32> to vector<4x64x1xi32>
    %concatenate3A_438 = tpu.concatenate %slice3A_436, %slice3A_437 in 2 : vector<4x64x127xi32>, vector<4x64x1xi32> -> vector<4x64x128xi32>
    %slice3A_439 = vector.extract_strided_slice %select_n3A_422 {offsets = [0, 0, 127], sizes = [4, 64, 1], strides = [1, 1, 1]} : vector<4x64x128xi32> to vector<4x64x1xi32>
    %slice3A_440 = vector.extract_strided_slice %select_n3A_422 {offsets = [0, 0, 0], sizes = [4, 64, 127], strides = [1, 1, 1]} : vector<4x64x128xi32> to vector<4x64x127xi32>
    %concatenate3A_441 = tpu.concatenate %slice3A_439, %slice3A_440 in 2 : vector<4x64x1xi32>, vector<4x64x127xi32> -> vector<4x64x128xi32>
    %select_n3A_442 = arith.select %eq3A_428, %concatenate3A_438, %concatenate3A_441 : vector<4x64x128xi1>, vector<4x64x128xi32>
    %ne3A_443 = arith.xori %eq3A_428, %eq3A_392 : vector<4x64x128xi1>
    %lt3A_444 = arith.cmpi ult, %select_n3A_435, %select_n3A_421 : vector<4x64x128xi32>
    %and3A_445 = arith.andi %ne3A_443, %lt3A_444 : vector<4x64x128xi1>
    %not3A_446 = arith.constant dense<true> : vector<4x64x128xi1>
    %not3A_447 = arith.xori %ne3A_443, %not3A_446 : vector<4x64x128xi1>
    %gt3A_448 = arith.cmpi ugt, %select_n3A_435, %select_n3A_421 : vector<4x64x128xi32>
    %and3A_449 = arith.andi %not3A_447, %gt3A_448 : vector<4x64x128xi1>
    %or3A_450 = arith.ori %and3A_445, %and3A_449 : vector<4x64x128xi1>
    %select_n3A_451 = arith.select %or3A_450, %select_n3A_435, %select_n3A_421 : vector<4x64x128xi1>, vector<4x64x128xi32>
    %select_n3A_452 = arith.select %or3A_450, %select_n3A_442, %select_n3A_422 : vector<4x64x128xi1>, vector<4x64x128xi32>
    %shift_right_arithmetic3A_453 = arith.constant 3 : i32
    %shift_right_arithmetic3A_454 = vector.broadcast %shift_right_arithmetic3A_453 : i32 to vector<4x64x128xi32>
    %shift_right_arithmetic3A_455 = arith.shrsi %iota3A, %shift_right_arithmetic3A_454 : vector<4x64x128xi32>
    %and3A_456 = arith.constant 1 : i32
    %and3A_457 = vector.broadcast %and3A_456 : i32 to vector<4x64x128xi32>
    %and3A_458 = arith.andi %shift_right_arithmetic3A_455, %and3A_457 : vector<4x64x128xi32>
    %eq3A_459 = arith.constant 1 : i32
    %eq3A_460 = vector.broadcast %eq3A_459 : i32 to vector<4x64x128xi32>
    %eq3A_461 = arith.cmpi eq, %and3A_458, %eq3A_460 : vector<4x64x128xi32>
    %and3A_462 = arith.constant 4 : i32
    %and3A_463 = vector.broadcast %and3A_462 : i32 to vector<4x64x128xi32>
    %and3A_464 = arith.andi %iota3A, %and3A_463 : vector<4x64x128xi32>
    %eq3A_465 = arith.constant 0 : i32
    %eq3A_466 = vector.broadcast %eq3A_465 : i32 to vector<4x64x128xi32>
    %eq3A_467 = arith.cmpi eq, %and3A_464, %eq3A_466 : vector<4x64x128xi32>
    %slice3A_468 = vector.extract_strided_slice %select_n3A_451 {offsets = [0, 0, 4], sizes = [4, 64, 124], strides = [1, 1, 1]} : vector<4x64x128xi32> to vector<4x64x124xi32>
    %slice3A_469 = vector.extract_strided_slice %select_n3A_451 {offsets = [0, 0, 0], sizes = [4, 64, 4], strides = [1, 1, 1]} : vector<4x64x128xi32> to vector<4x64x4xi32>
    %concatenate3A_470 = tpu.concatenate %slice3A_468, %slice3A_469 in 2 : vector<4x64x124xi32>, vector<4x64x4xi32> -> vector<4x64x128xi32>
    %slice3A_471 = vector.extract_strided_slice %select_n3A_451 {offsets = [0, 0, 124], sizes = [4, 64, 4], strides = [1, 1, 1]} : vector<4x64x128xi32> to vector<4x64x4xi32>
    %slice3A_472 = vector.extract_strided_slice %select_n3A_451 {offsets = [0, 0, 0], sizes = [4, 64, 124], strides = [1, 1, 1]} : vector<4x64x128xi32> to vector<4x64x124xi32>
    %concatenate3A_473 = tpu.concatenate %slice3A_471, %slice3A_472 in 2 : vector<4x64x4xi32>, vector<4x64x124xi32> -> vector<4x64x128xi32>
    %select_n3A_474 = arith.select %eq3A_467, %concatenate3A_470, %concatenate3A_473 : vector<4x64x128xi1>, vector<4x64x128xi32>
    %slice3A_475 = vector.extract_strided_slice %select_n3A_452 {offsets = [0, 0, 4], sizes = [4, 64, 124], strides = [1, 1, 1]} : vector<4x64x128xi32> to vector<4x64x124xi32>
    %slice3A_476 = vector.extract_strided_slice %select_n3A_452 {offsets = [0, 0, 0], sizes = [4, 64, 4], strides = [1, 1, 1]} : vector<4x64x128xi32> to vector<4x64x4xi32>
    %concatenate3A_477 = tpu.concatenate %slice3A_475, %slice3A_476 in 2 : vector<4x64x124xi32>, vector<4x64x4xi32> -> vector<4x64x128xi32>
    %slice3A_478 = vector.extract_strided_slice %select_n3A_452 {offsets = [0, 0, 124], sizes = [4, 64, 4], strides = [1, 1, 1]} : vector<4x64x128xi32> to vector<4x64x4xi32>
    %slice3A_479 = vector.extract_strided_slice %select_n3A_452 {offsets = [0, 0, 0], sizes = [4, 64, 124], strides = [1, 1, 1]} : vector<4x64x128xi32> to vector<4x64x124xi32>
    %concatenate3A_480 = tpu.concatenate %slice3A_478, %slice3A_479 in 2 : vector<4x64x4xi32>, vector<4x64x124xi32> -> vector<4x64x128xi32>
    %select_n3A_481 = arith.select %eq3A_467, %concatenate3A_477, %concatenate3A_480 : vector<4x64x128xi1>, vector<4x64x128xi32>
    %ne3A_482 = arith.xori %eq3A_467, %eq3A_461 : vector<4x64x128xi1>
    %lt3A_483 = arith.cmpi ult, %select_n3A_474, %select_n3A_451 : vector<4x64x128xi32>
    %and3A_484 = arith.andi %ne3A_482, %lt3A_483 : vector<4x64x128xi1>
    %not3A_485 = arith.constant dense<true> : vector<4x64x128xi1>
    %not3A_486 = arith.xori %ne3A_482, %not3A_485 : vector<4x64x128xi1>
    %gt3A_487 = arith.cmpi ugt, %select_n3A_474, %select_n3A_451 : vector<4x64x128xi32>
    %and3A_488 = arith.andi %not3A_486, %gt3A_487 : vector<4x64x128xi1>
    %or3A_489 = arith.ori %and3A_484, %and3A_488 : vector<4x64x128xi1>
    %select_n3A_490 = arith.select %or3A_489, %select_n3A_474, %select_n3A_451 : vector<4x64x128xi1>, vector<4x64x128xi32>
    %select_n3A_491 = arith.select %or3A_489, %select_n3A_481, %select_n3A_452 : vector<4x64x128xi1>, vector<4x64x128xi32>
    %and3A_492 = arith.constant 2 : i32
    %and3A_493 = vector.broadcast %and3A_492 : i32 to vector<4x64x128xi32>
    %and3A_494 = arith.andi %iota3A, %and3A_493 : vector<4x64x128xi32>
    %eq3A_495 = arith.constant 0 : i32
    %eq3A_496 = vector.broadcast %eq3A_495 : i32 to vector<4x64x128xi32>
    %eq3A_497 = arith.cmpi eq, %and3A_494, %eq3A_496 : vector<4x64x128xi32>
    %slice3A_498 = vector.extract_strided_slice %select_n3A_490 {offsets = [0, 0, 2], sizes = [4, 64, 126], strides = [1, 1, 1]} : vector<4x64x128xi32> to vector<4x64x126xi32>
    %slice3A_499 = vector.extract_strided_slice %select_n3A_490 {offsets = [0, 0, 0], sizes = [4, 64, 2], strides = [1, 1, 1]} : vector<4x64x128xi32> to vector<4x64x2xi32>
    %concatenate3A_500 = tpu.concatenate %slice3A_498, %slice3A_499 in 2 : vector<4x64x126xi32>, vector<4x64x2xi32> -> vector<4x64x128xi32>
    %slice3A_501 = vector.extract_strided_slice %select_n3A_490 {offsets = [0, 0, 126], sizes = [4, 64, 2], strides = [1, 1, 1]} : vector<4x64x128xi32> to vector<4x64x2xi32>
    %slice3A_502 = vector.extract_strided_slice %select_n3A_490 {offsets = [0, 0, 0], sizes = [4, 64, 126], strides = [1, 1, 1]} : vector<4x64x128xi32> to vector<4x64x126xi32>
    %concatenate3A_503 = tpu.concatenate %slice3A_501, %slice3A_502 in 2 : vector<4x64x2xi32>, vector<4x64x126xi32> -> vector<4x64x128xi32>
    %select_n3A_504 = arith.select %eq3A_497, %concatenate3A_500, %concatenate3A_503 : vector<4x64x128xi1>, vector<4x64x128xi32>
    %slice3A_505 = vector.extract_strided_slice %select_n3A_491 {offsets = [0, 0, 2], sizes = [4, 64, 126], strides = [1, 1, 1]} : vector<4x64x128xi32> to vector<4x64x126xi32>
    %slice3A_506 = vector.extract_strided_slice %select_n3A_491 {offsets = [0, 0, 0], sizes = [4, 64, 2], strides = [1, 1, 1]} : vector<4x64x128xi32> to vector<4x64x2xi32>
    %concatenate3A_507 = tpu.concatenate %slice3A_505, %slice3A_506 in 2 : vector<4x64x126xi32>, vector<4x64x2xi32> -> vector<4x64x128xi32>
    %slice3A_508 = vector.extract_strided_slice %select_n3A_491 {offsets = [0, 0, 126], sizes = [4, 64, 2], strides = [1, 1, 1]} : vector<4x64x128xi32> to vector<4x64x2xi32>
    %slice3A_509 = vector.extract_strided_slice %select_n3A_491 {offsets = [0, 0, 0], sizes = [4, 64, 126], strides = [1, 1, 1]} : vector<4x64x128xi32> to vector<4x64x126xi32>
    %concatenate3A_510 = tpu.concatenate %slice3A_508, %slice3A_509 in 2 : vector<4x64x2xi32>, vector<4x64x126xi32> -> vector<4x64x128xi32>
    %select_n3A_511 = arith.select %eq3A_497, %concatenate3A_507, %concatenate3A_510 : vector<4x64x128xi1>, vector<4x64x128xi32>
    %ne3A_512 = arith.xori %eq3A_497, %eq3A_461 : vector<4x64x128xi1>
    %lt3A_513 = arith.cmpi ult, %select_n3A_504, %select_n3A_490 : vector<4x64x128xi32>
    %and3A_514 = arith.andi %ne3A_512, %lt3A_513 : vector<4x64x128xi1>
    %not3A_515 = arith.constant dense<true> : vector<4x64x128xi1>
    %not3A_516 = arith.xori %ne3A_512, %not3A_515 : vector<4x64x128xi1>
    %gt3A_517 = arith.cmpi ugt, %select_n3A_504, %select_n3A_490 : vector<4x64x128xi32>
    %and3A_518 = arith.andi %not3A_516, %gt3A_517 : vector<4x64x128xi1>
    %or3A_519 = arith.ori %and3A_514, %and3A_518 : vector<4x64x128xi1>
    %select_n3A_520 = arith.select %or3A_519, %select_n3A_504, %select_n3A_490 : vector<4x64x128xi1>, vector<4x64x128xi32>
    %select_n3A_521 = arith.select %or3A_519, %select_n3A_511, %select_n3A_491 : vector<4x64x128xi1>, vector<4x64x128xi32>
    %and3A_522 = arith.constant 1 : i32
    %and3A_523 = vector.broadcast %and3A_522 : i32 to vector<4x64x128xi32>
    %and3A_524 = arith.andi %iota3A, %and3A_523 : vector<4x64x128xi32>
    %eq3A_525 = arith.constant 0 : i32
    %eq3A_526 = vector.broadcast %eq3A_525 : i32 to vector<4x64x128xi32>
    %eq3A_527 = arith.cmpi eq, %and3A_524, %eq3A_526 : vector<4x64x128xi32>
    %slice3A_528 = vector.extract_strided_slice %select_n3A_520 {offsets = [0, 0, 1], sizes = [4, 64, 127], strides = [1, 1, 1]} : vector<4x64x128xi32> to vector<4x64x127xi32>
    %slice3A_529 = vector.extract_strided_slice %select_n3A_520 {offsets = [0, 0, 0], sizes = [4, 64, 1], strides = [1, 1, 1]} : vector<4x64x128xi32> to vector<4x64x1xi32>
    %concatenate3A_530 = tpu.concatenate %slice3A_528, %slice3A_529 in 2 : vector<4x64x127xi32>, vector<4x64x1xi32> -> vector<4x64x128xi32>
    %slice3A_531 = vector.extract_strided_slice %select_n3A_520 {offsets = [0, 0, 127], sizes = [4, 64, 1], strides = [1, 1, 1]} : vector<4x64x128xi32> to vector<4x64x1xi32>
    %slice3A_532 = vector.extract_strided_slice %select_n3A_520 {offsets = [0, 0, 0], sizes = [4, 64, 127], strides = [1, 1, 1]} : vector<4x64x128xi32> to vector<4x64x127xi32>
    %concatenate3A_533 = tpu.concatenate %slice3A_531, %slice3A_532 in 2 : vector<4x64x1xi32>, vector<4x64x127xi32> -> vector<4x64x128xi32>
    %select_n3A_534 = arith.select %eq3A_527, %concatenate3A_530, %concatenate3A_533 : vector<4x64x128xi1>, vector<4x64x128xi32>
    %slice3A_535 = vector.extract_strided_slice %select_n3A_521 {offsets = [0, 0, 1], sizes = [4, 64, 127], strides = [1, 1, 1]} : vector<4x64x128xi32> to vector<4x64x127xi32>
    %slice3A_536 = vector.extract_strided_slice %select_n3A_521 {offsets = [0, 0, 0], sizes = [4, 64, 1], strides = [1, 1, 1]} : vector<4x64x128xi32> to vector<4x64x1xi32>
    %concatenate3A_537 = tpu.concatenate %slice3A_535, %slice3A_536 in 2 : vector<4x64x127xi32>, vector<4x64x1xi32> -> vector<4x64x128xi32>
    %slice3A_538 = vector.extract_strided_slice %select_n3A_521 {offsets = [0, 0, 127], sizes = [4, 64, 1], strides = [1, 1, 1]} : vector<4x64x128xi32> to vector<4x64x1xi32>
    %slice3A_539 = vector.extract_strided_slice %select_n3A_521 {offsets = [0, 0, 0], sizes = [4, 64, 127], strides = [1, 1, 1]} : vector<4x64x128xi32> to vector<4x64x127xi32>
    %concatenate3A_540 = tpu.concatenate %slice3A_538, %slice3A_539 in 2 : vector<4x64x1xi32>, vector<4x64x127xi32> -> vector<4x64x128xi32>
    %select_n3A_541 = arith.select %eq3A_527, %concatenate3A_537, %concatenate3A_540 : vector<4x64x128xi1>, vector<4x64x128xi32>
    %ne3A_542 = arith.xori %eq3A_527, %eq3A_461 : vector<4x64x128xi1>
    %lt3A_543 = arith.cmpi ult, %select_n3A_534, %select_n3A_520 : vector<4x64x128xi32>
    %and3A_544 = arith.andi %ne3A_542, %lt3A_543 : vector<4x64x128xi1>
    %not3A_545 = arith.constant dense<true> : vector<4x64x128xi1>
    %not3A_546 = arith.xori %ne3A_542, %not3A_545 : vector<4x64x128xi1>
    %gt3A_547 = arith.cmpi ugt, %select_n3A_534, %select_n3A_520 : vector<4x64x128xi32>
    %and3A_548 = arith.andi %not3A_546, %gt3A_547 : vector<4x64x128xi1>
    %or3A_549 = arith.ori %and3A_544, %and3A_548 : vector<4x64x128xi1>
    %select_n3A_550 = arith.select %or3A_549, %select_n3A_534, %select_n3A_520 : vector<4x64x128xi1>, vector<4x64x128xi32>
    %select_n3A_551 = arith.select %or3A_549, %select_n3A_541, %select_n3A_521 : vector<4x64x128xi1>, vector<4x64x128xi32>
    %broadcast_in_dim3A_552 = arith.constant false
    %broadcast_in_dim3A_553 = vector.broadcast %broadcast_in_dim3A_552 : i1 to vector<4x64x128xi1>
    %and3A_554 = arith.constant 8 : i32
    %and3A_555 = vector.broadcast %and3A_554 : i32 to vector<4x64x128xi32>
    %and3A_556 = arith.andi %iota3A, %and3A_555 : vector<4x64x128xi32>
    %eq3A_557 = arith.constant 0 : i32
    %eq3A_558 = vector.broadcast %eq3A_557 : i32 to vector<4x64x128xi32>
    %eq3A_559 = arith.cmpi eq, %and3A_556, %eq3A_558 : vector<4x64x128xi32>
    %slice3A_560 = vector.extract_strided_slice %select_n3A_550 {offsets = [0, 0, 8], sizes = [4, 64, 120], strides = [1, 1, 1]} : vector<4x64x128xi32> to vector<4x64x120xi32>
    %slice3A_561 = vector.extract_strided_slice %select_n3A_550 {offsets = [0, 0, 0], sizes = [4, 64, 8], strides = [1, 1, 1]} : vector<4x64x128xi32> to vector<4x64x8xi32>
    %concatenate3A_562 = tpu.concatenate %slice3A_560, %slice3A_561 in 2 : vector<4x64x120xi32>, vector<4x64x8xi32> -> vector<4x64x128xi32>
    %slice3A_563 = vector.extract_strided_slice %select_n3A_550 {offsets = [0, 0, 120], sizes = [4, 64, 8], strides = [1, 1, 1]} : vector<4x64x128xi32> to vector<4x64x8xi32>
    %slice3A_564 = vector.extract_strided_slice %select_n3A_550 {offsets = [0, 0, 0], sizes = [4, 64, 120], strides = [1, 1, 1]} : vector<4x64x128xi32> to vector<4x64x120xi32>
    %concatenate3A_565 = tpu.concatenate %slice3A_563, %slice3A_564 in 2 : vector<4x64x8xi32>, vector<4x64x120xi32> -> vector<4x64x128xi32>
    %select_n3A_566 = arith.select %eq3A_559, %concatenate3A_562, %concatenate3A_565 : vector<4x64x128xi1>, vector<4x64x128xi32>
    %slice3A_567 = vector.extract_strided_slice %select_n3A_551 {offsets = [0, 0, 8], sizes = [4, 64, 120], strides = [1, 1, 1]} : vector<4x64x128xi32> to vector<4x64x120xi32>
    %slice3A_568 = vector.extract_strided_slice %select_n3A_551 {offsets = [0, 0, 0], sizes = [4, 64, 8], strides = [1, 1, 1]} : vector<4x64x128xi32> to vector<4x64x8xi32>
    %concatenate3A_569 = tpu.concatenate %slice3A_567, %slice3A_568 in 2 : vector<4x64x120xi32>, vector<4x64x8xi32> -> vector<4x64x128xi32>
    %slice3A_570 = vector.extract_strided_slice %select_n3A_551 {offsets = [0, 0, 120], sizes = [4, 64, 8], strides = [1, 1, 1]} : vector<4x64x128xi32> to vector<4x64x8xi32>
    %slice3A_571 = vector.extract_strided_slice %select_n3A_551 {offsets = [0, 0, 0], sizes = [4, 64, 120], strides = [1, 1, 1]} : vector<4x64x128xi32> to vector<4x64x120xi32>
    %concatenate3A_572 = tpu.concatenate %slice3A_570, %slice3A_571 in 2 : vector<4x64x8xi32>, vector<4x64x120xi32> -> vector<4x64x128xi32>
    %select_n3A_573 = arith.select %eq3A_559, %concatenate3A_569, %concatenate3A_572 : vector<4x64x128xi1>, vector<4x64x128xi32>
    %ne3A_574 = arith.xori %eq3A_559, %broadcast_in_dim3A_553 : vector<4x64x128xi1>
    %lt3A_575 = arith.cmpi ult, %select_n3A_566, %select_n3A_550 : vector<4x64x128xi32>
    %and3A_576 = arith.andi %ne3A_574, %lt3A_575 : vector<4x64x128xi1>
    %not3A_577 = arith.constant dense<true> : vector<4x64x128xi1>
    %not3A_578 = arith.xori %ne3A_574, %not3A_577 : vector<4x64x128xi1>
    %gt3A_579 = arith.cmpi ugt, %select_n3A_566, %select_n3A_550 : vector<4x64x128xi32>
    %and3A_580 = arith.andi %not3A_578, %gt3A_579 : vector<4x64x128xi1>
    %or3A_581 = arith.ori %and3A_576, %and3A_580 : vector<4x64x128xi1>
    %select_n3A_582 = arith.select %or3A_581, %select_n3A_566, %select_n3A_550 : vector<4x64x128xi1>, vector<4x64x128xi32>
    %select_n3A_583 = arith.select %or3A_581, %select_n3A_573, %select_n3A_551 : vector<4x64x128xi1>, vector<4x64x128xi32>
    %and3A_584 = arith.constant 4 : i32
    %and3A_585 = vector.broadcast %and3A_584 : i32 to vector<4x64x128xi32>
    %and3A_586 = arith.andi %iota3A, %and3A_585 : vector<4x64x128xi32>
    %eq3A_587 = arith.constant 0 : i32
    %eq3A_588 = vector.broadcast %eq3A_587 : i32 to vector<4x64x128xi32>
    %eq3A_589 = arith.cmpi eq, %and3A_586, %eq3A_588 : vector<4x64x128xi32>
    %slice3A_590 = vector.extract_strided_slice %select_n3A_582 {offsets = [0, 0, 4], sizes = [4, 64, 124], strides = [1, 1, 1]} : vector<4x64x128xi32> to vector<4x64x124xi32>
    %slice3A_591 = vector.extract_strided_slice %select_n3A_582 {offsets = [0, 0, 0], sizes = [4, 64, 4], strides = [1, 1, 1]} : vector<4x64x128xi32> to vector<4x64x4xi32>
    %concatenate3A_592 = tpu.concatenate %slice3A_590, %slice3A_591 in 2 : vector<4x64x124xi32>, vector<4x64x4xi32> -> vector<4x64x128xi32>
    %slice3A_593 = vector.extract_strided_slice %select_n3A_582 {offsets = [0, 0, 124], sizes = [4, 64, 4], strides = [1, 1, 1]} : vector<4x64x128xi32> to vector<4x64x4xi32>
    %slice3A_594 = vector.extract_strided_slice %select_n3A_582 {offsets = [0, 0, 0], sizes = [4, 64, 124], strides = [1, 1, 1]} : vector<4x64x128xi32> to vector<4x64x124xi32>
    %concatenate3A_595 = tpu.concatenate %slice3A_593, %slice3A_594 in 2 : vector<4x64x4xi32>, vector<4x64x124xi32> -> vector<4x64x128xi32>
    %select_n3A_596 = arith.select %eq3A_589, %concatenate3A_592, %concatenate3A_595 : vector<4x64x128xi1>, vector<4x64x128xi32>
    %slice3A_597 = vector.extract_strided_slice %select_n3A_583 {offsets = [0, 0, 4], sizes = [4, 64, 124], strides = [1, 1, 1]} : vector<4x64x128xi32> to vector<4x64x124xi32>
    %slice3A_598 = vector.extract_strided_slice %select_n3A_583 {offsets = [0, 0, 0], sizes = [4, 64, 4], strides = [1, 1, 1]} : vector<4x64x128xi32> to vector<4x64x4xi32>
    %concatenate3A_599 = tpu.concatenate %slice3A_597, %slice3A_598 in 2 : vector<4x64x124xi32>, vector<4x64x4xi32> -> vector<4x64x128xi32>
    %slice3A_600 = vector.extract_strided_slice %select_n3A_583 {offsets = [0, 0, 124], sizes = [4, 64, 4], strides = [1, 1, 1]} : vector<4x64x128xi32> to vector<4x64x4xi32>
    %slice3A_601 = vector.extract_strided_slice %select_n3A_583 {offsets = [0, 0, 0], sizes = [4, 64, 124], strides = [1, 1, 1]} : vector<4x64x128xi32> to vector<4x64x124xi32>
    %concatenate3A_602 = tpu.concatenate %slice3A_600, %slice3A_601 in 2 : vector<4x64x4xi32>, vector<4x64x124xi32> -> vector<4x64x128xi32>
    %select_n3A_603 = arith.select %eq3A_589, %concatenate3A_599, %concatenate3A_602 : vector<4x64x128xi1>, vector<4x64x128xi32>
    %ne3A_604 = arith.xori %eq3A_589, %broadcast_in_dim3A_553 : vector<4x64x128xi1>
    %lt3A_605 = arith.cmpi ult, %select_n3A_596, %select_n3A_582 : vector<4x64x128xi32>
    %and3A_606 = arith.andi %ne3A_604, %lt3A_605 : vector<4x64x128xi1>
    %not3A_607 = arith.constant dense<true> : vector<4x64x128xi1>
    %not3A_608 = arith.xori %ne3A_604, %not3A_607 : vector<4x64x128xi1>
    %gt3A_609 = arith.cmpi ugt, %select_n3A_596, %select_n3A_582 : vector<4x64x128xi32>
    %and3A_610 = arith.andi %not3A_608, %gt3A_609 : vector<4x64x128xi1>
    %or3A_611 = arith.ori %and3A_606, %and3A_610 : vector<4x64x128xi1>
    %select_n3A_612 = arith.select %or3A_611, %select_n3A_596, %select_n3A_582 : vector<4x64x128xi1>, vector<4x64x128xi32>
    %select_n3A_613 = arith.select %or3A_611, %select_n3A_603, %select_n3A_583 : vector<4x64x128xi1>, vector<4x64x128xi32>
    %and3A_614 = arith.constant 2 : i32
    %and3A_615 = vector.broadcast %and3A_614 : i32 to vector<4x64x128xi32>
    %and3A_616 = arith.andi %iota3A, %and3A_615 : vector<4x64x128xi32>
    %eq3A_617 = arith.constant 0 : i32
    %eq3A_618 = vector.broadcast %eq3A_617 : i32 to vector<4x64x128xi32>
    %eq3A_619 = arith.cmpi eq, %and3A_616, %eq3A_618 : vector<4x64x128xi32>
    %slice3A_620 = vector.extract_strided_slice %select_n3A_612 {offsets = [0, 0, 2], sizes = [4, 64, 126], strides = [1, 1, 1]} : vector<4x64x128xi32> to vector<4x64x126xi32>
    %slice3A_621 = vector.extract_strided_slice %select_n3A_612 {offsets = [0, 0, 0], sizes = [4, 64, 2], strides = [1, 1, 1]} : vector<4x64x128xi32> to vector<4x64x2xi32>
    %concatenate3A_622 = tpu.concatenate %slice3A_620, %slice3A_621 in 2 : vector<4x64x126xi32>, vector<4x64x2xi32> -> vector<4x64x128xi32>
    %slice3A_623 = vector.extract_strided_slice %select_n3A_612 {offsets = [0, 0, 126], sizes = [4, 64, 2], strides = [1, 1, 1]} : vector<4x64x128xi32> to vector<4x64x2xi32>
    %slice3A_624 = vector.extract_strided_slice %select_n3A_612 {offsets = [0, 0, 0], sizes = [4, 64, 126], strides = [1, 1, 1]} : vector<4x64x128xi32> to vector<4x64x126xi32>
    %concatenate3A_625 = tpu.concatenate %slice3A_623, %slice3A_624 in 2 : vector<4x64x2xi32>, vector<4x64x126xi32> -> vector<4x64x128xi32>
    %select_n3A_626 = arith.select %eq3A_619, %concatenate3A_622, %concatenate3A_625 : vector<4x64x128xi1>, vector<4x64x128xi32>
    %slice3A_627 = vector.extract_strided_slice %select_n3A_613 {offsets = [0, 0, 2], sizes = [4, 64, 126], strides = [1, 1, 1]} : vector<4x64x128xi32> to vector<4x64x126xi32>
    %slice3A_628 = vector.extract_strided_slice %select_n3A_613 {offsets = [0, 0, 0], sizes = [4, 64, 2], strides = [1, 1, 1]} : vector<4x64x128xi32> to vector<4x64x2xi32>
    %concatenate3A_629 = tpu.concatenate %slice3A_627, %slice3A_628 in 2 : vector<4x64x126xi32>, vector<4x64x2xi32> -> vector<4x64x128xi32>
    %slice3A_630 = vector.extract_strided_slice %select_n3A_613 {offsets = [0, 0, 126], sizes = [4, 64, 2], strides = [1, 1, 1]} : vector<4x64x128xi32> to vector<4x64x2xi32>
    %slice3A_631 = vector.extract_strided_slice %select_n3A_613 {offsets = [0, 0, 0], sizes = [4, 64, 126], strides = [1, 1, 1]} : vector<4x64x128xi32> to vector<4x64x126xi32>
    %concatenate3A_632 = tpu.concatenate %slice3A_630, %slice3A_631 in 2 : vector<4x64x2xi32>, vector<4x64x126xi32> -> vector<4x64x128xi32>
    %select_n3A_633 = arith.select %eq3A_619, %concatenate3A_629, %concatenate3A_632 : vector<4x64x128xi1>, vector<4x64x128xi32>
    %ne3A_634 = arith.xori %eq3A_619, %broadcast_in_dim3A_553 : vector<4x64x128xi1>
    %lt3A_635 = arith.cmpi ult, %select_n3A_626, %select_n3A_612 : vector<4x64x128xi32>
    %and3A_636 = arith.andi %ne3A_634, %lt3A_635 : vector<4x64x128xi1>
    %not3A_637 = arith.constant dense<true> : vector<4x64x128xi1>
    %not3A_638 = arith.xori %ne3A_634, %not3A_637 : vector<4x64x128xi1>
    %gt3A_639 = arith.cmpi ugt, %select_n3A_626, %select_n3A_612 : vector<4x64x128xi32>
    %and3A_640 = arith.andi %not3A_638, %gt3A_639 : vector<4x64x128xi1>
    %or3A_641 = arith.ori %and3A_636, %and3A_640 : vector<4x64x128xi1>
    %select_n3A_642 = arith.select %or3A_641, %select_n3A_626, %select_n3A_612 : vector<4x64x128xi1>, vector<4x64x128xi32>
    %select_n3A_643 = arith.select %or3A_641, %select_n3A_633, %select_n3A_613 : vector<4x64x128xi1>, vector<4x64x128xi32>
    %and3A_644 = arith.constant 1 : i32
    %and3A_645 = vector.broadcast %and3A_644 : i32 to vector<4x64x128xi32>
    %and3A_646 = arith.andi %iota3A, %and3A_645 : vector<4x64x128xi32>
    %eq3A_647 = arith.constant 0 : i32
    %eq3A_648 = vector.broadcast %eq3A_647 : i32 to vector<4x64x128xi32>
    %eq3A_649 = arith.cmpi eq, %and3A_646, %eq3A_648 : vector<4x64x128xi32>
    %slice3A_650 = vector.extract_strided_slice %select_n3A_642 {offsets = [0, 0, 1], sizes = [4, 64, 127], strides = [1, 1, 1]} : vector<4x64x128xi32> to vector<4x64x127xi32>
    %slice3A_651 = vector.extract_strided_slice %select_n3A_642 {offsets = [0, 0, 0], sizes = [4, 64, 1], strides = [1, 1, 1]} : vector<4x64x128xi32> to vector<4x64x1xi32>
    %concatenate3A_652 = tpu.concatenate %slice3A_650, %slice3A_651 in 2 : vector<4x64x127xi32>, vector<4x64x1xi32> -> vector<4x64x128xi32>
    %slice3A_653 = vector.extract_strided_slice %select_n3A_642 {offsets = [0, 0, 127], sizes = [4, 64, 1], strides = [1, 1, 1]} : vector<4x64x128xi32> to vector<4x64x1xi32>
    %slice3A_654 = vector.extract_strided_slice %select_n3A_642 {offsets = [0, 0, 0], sizes = [4, 64, 127], strides = [1, 1, 1]} : vector<4x64x128xi32> to vector<4x64x127xi32>
    %concatenate3A_655 = tpu.concatenate %slice3A_653, %slice3A_654 in 2 : vector<4x64x1xi32>, vector<4x64x127xi32> -> vector<4x64x128xi32>
    %select_n3A_656 = arith.select %eq3A_649, %concatenate3A_652, %concatenate3A_655 : vector<4x64x128xi1>, vector<4x64x128xi32>
    %slice3A_657 = vector.extract_strided_slice %select_n3A_643 {offsets = [0, 0, 1], sizes = [4, 64, 127], strides = [1, 1, 1]} : vector<4x64x128xi32> to vector<4x64x127xi32>
    %slice3A_658 = vector.extract_strided_slice %select_n3A_643 {offsets = [0, 0, 0], sizes = [4, 64, 1], strides = [1, 1, 1]} : vector<4x64x128xi32> to vector<4x64x1xi32>
    %concatenate3A_659 = tpu.concatenate %slice3A_657, %slice3A_658 in 2 : vector<4x64x127xi32>, vector<4x64x1xi32> -> vector<4x64x128xi32>
    %slice3A_660 = vector.extract_strided_slice %select_n3A_643 {offsets = [0, 0, 127], sizes = [4, 64, 1], strides = [1, 1, 1]} : vector<4x64x128xi32> to vector<4x64x1xi32>
    %slice3A_661 = vector.extract_strided_slice %select_n3A_643 {offsets = [0, 0, 0], sizes = [4, 64, 127], strides = [1, 1, 1]} : vector<4x64x128xi32> to vector<4x64x127xi32>
    %concatenate3A_662 = tpu.concatenate %slice3A_660, %slice3A_661 in 2 : vector<4x64x1xi32>, vector<4x64x127xi32> -> vector<4x64x128xi32>
    %select_n3A_663 = arith.select %eq3A_649, %concatenate3A_659, %concatenate3A_662 : vector<4x64x128xi1>, vector<4x64x128xi32>
    %ne3A_664 = arith.xori %eq3A_649, %broadcast_in_dim3A_553 : vector<4x64x128xi1>
    %lt3A_665 = arith.cmpi ult, %select_n3A_656, %select_n3A_642 : vector<4x64x128xi32>
    %and3A_666 = arith.andi %ne3A_664, %lt3A_665 : vector<4x64x128xi1>
    %not3A_667 = arith.constant dense<true> : vector<4x64x128xi1>
    %not3A_668 = arith.xori %ne3A_664, %not3A_667 : vector<4x64x128xi1>
    %gt3A_669 = arith.cmpi ugt, %select_n3A_656, %select_n3A_642 : vector<4x64x128xi32>
    %and3A_670 = arith.andi %not3A_668, %gt3A_669 : vector<4x64x128xi1>
    %or3A_671 = arith.ori %and3A_666, %and3A_670 : vector<4x64x128xi1>
    %select_n3A_672 = arith.select %or3A_671, %select_n3A_656, %select_n3A_642 : vector<4x64x128xi1>, vector<4x64x128xi32>
    %select_n3A_673 = arith.select %or3A_671, %select_n3A_663, %select_n3A_643 : vector<4x64x128xi1>, vector<4x64x128xi32>
    %eq3A_674 = arith.constant 63 : i32
    %eq3A_675 = vector.broadcast %eq3A_674 : i32 to vector<4x64x128xi32>
    %eq3A_676 = arith.cmpi eq, %iota3A_0, %eq3A_675 : vector<4x64x128xi32>
    %ge3A = arith.constant 112 : i32
    %ge3A_677 = vector.broadcast %ge3A : i32 to vector<4x64x128xi32>
    %ge3A_678 = arith.cmpi sge, %iota3A, %ge3A_677 : vector<4x64x128xi32>
    %and3A_679 = arith.andi %eq3A_676, %ge3A_678 : vector<4x64x128xi1>
    %select_n3A_680 = arith.select %and3A_679, %select_n3A_334, %select_n3A_672 : vector<4x64x128xi1>, vector<4x64x128xi32>
    %select_n3A_681 = arith.select %and3A_679, %select_n3A_344, %select_n3A_673 : vector<4x64x128xi1>, vector<4x64x128xi32>
    %slice3A_682 = vector.extract_strided_slice %select_n3A_680 {offsets = [0, 0, 120], sizes = [4, 64, 8], strides = [1, 1, 1]} : vector<4x64x128xi32> to vector<4x64x8xi32>
    %slice3A_683 = vector.extract_strided_slice %select_n3A_680 {offsets = [0, 0, 0], sizes = [4, 64, 120], strides = [1, 1, 1]} : vector<4x64x128xi32> to vector<4x64x120xi32>
    %concatenate3A_684 = tpu.concatenate %slice3A_682, %slice3A_683 in 2 : vector<4x64x8xi32>, vector<4x64x120xi32> -> vector<4x64x128xi32>
    %slice3A_685 = vector.extract_strided_slice %concatenate3A_684 {offsets = [0, 63, 0], sizes = [4, 1, 128], strides = [1, 1, 1]} : vector<4x64x128xi32> to vector<4x1x128xi32>
    %slice3A_686 = vector.extract_strided_slice %concatenate3A_684 {offsets = [0, 0, 0], sizes = [4, 63, 128], strides = [1, 1, 1]} : vector<4x64x128xi32> to vector<4x63x128xi32>
    %concatenate3A_687 = tpu.concatenate %slice3A_685, %slice3A_686 in 1 : vector<4x1x128xi32>, vector<4x63x128xi32> -> vector<4x64x128xi32>
    %ge3A_688 = arith.constant 8 : i32
    %ge3A_689 = vector.broadcast %ge3A_688 : i32 to vector<4x64x128xi32>
    %ge3A_690 = arith.cmpi sge, %iota3A, %ge3A_689 : vector<4x64x128xi32>
    %select_n3A_691 = arith.select %ge3A_690, %concatenate3A_684, %concatenate3A_687 : vector<4x64x128xi1>, vector<4x64x128xi32>
    %slice3A_692 = vector.extract_strided_slice %select_n3A_681 {offsets = [0, 0, 120], sizes = [4, 64, 8], strides = [1, 1, 1]} : vector<4x64x128xi32> to vector<4x64x8xi32>
    %slice3A_693 = vector.extract_strided_slice %select_n3A_681 {offsets = [0, 0, 0], sizes = [4, 64, 120], strides = [1, 1, 1]} : vector<4x64x128xi32> to vector<4x64x120xi32>
    %concatenate3A_694 = tpu.concatenate %slice3A_692, %slice3A_693 in 2 : vector<4x64x8xi32>, vector<4x64x120xi32> -> vector<4x64x128xi32>
    %slice3A_695 = vector.extract_strided_slice %concatenate3A_694 {offsets = [0, 63, 0], sizes = [4, 1, 128], strides = [1, 1, 1]} : vector<4x64x128xi32> to vector<4x1x128xi32>
    %slice3A_696 = vector.extract_strided_slice %concatenate3A_694 {offsets = [0, 0, 0], sizes = [4, 63, 128], strides = [1, 1, 1]} : vector<4x64x128xi32> to vector<4x63x128xi32>
    %concatenate3A_697 = tpu.concatenate %slice3A_695, %slice3A_696 in 1 : vector<4x1x128xi32>, vector<4x63x128xi32> -> vector<4x64x128xi32>
    %ge3A_698 = arith.constant 8 : i32
    %ge3A_699 = vector.broadcast %ge3A_698 : i32 to vector<4x64x128xi32>
    %ge3A_700 = arith.cmpi sge, %iota3A, %ge3A_699 : vector<4x64x128xi32>
    %select_n3A_701 = arith.select %ge3A_700, %concatenate3A_694, %concatenate3A_697 : vector<4x64x128xi1>, vector<4x64x128xi32>
    %slice3A_702 = vector.extract_strided_slice %select_n3A_691 {offsets = [0, 32, 0], sizes = [4, 1, 1], strides = [1, 1, 1]} : vector<4x64x128xi32> to vector<4x1x1xi32>
    %broadcast_in_dim3A_703 = vector.shape_cast %slice3A_702 : vector<4x1x1xi32> to vector<4x1x1xi32>
    %broadcast_in_dim3A_704 = vector.broadcast %broadcast_in_dim3A_703 : vector<4x1x1xi32> to vector<4x64x128xi32>
    %get3A_705 = arith.constant 0 : index
    %get3A_706 = arith.constant 0 : index
    %get3A_707 = arith.constant 0 : index
    %get3A_708 = vector.load %arg2[%get3A_705, %get3A_706, %get3A_707] : memref<4x64x128xi32, #tpu.memory_space<vmem>>, vector<4x64x128xi32>
    %bitcast_convert_type3A_709 = tpu.bitcast %get3A_708 : vector<4x64x128xi32> -> vector<4x64x128xi32>
    %ge3A_710 = arith.cmpi uge, %bitcast_convert_type3A_709, %broadcast_in_dim3A_704 : vector<4x64x128xi32>
    %swap3A = arith.constant 0 : index
    %swap3A_711 = arith.constant 0 : index
    %swap3A_712 = arith.constant 0 : index
    %swap3A_713 = vector.load %arg5[%swap3A, %swap3A_711, %swap3A_712] : memref<4x64x128xi32, #tpu.memory_space<vmem>>, vector<4x64x128xi32>
    %swap3A_714 = arith.extui %ge3A_710 : vector<4x64x128xi1> to vector<4x64x128xi32>
    %swap3A_715 = arith.constant dense<0> : vector<4x64x128xi32>
    %swap3A_716 = arith.cmpi ne, %swap3A_713, %swap3A_715 : vector<4x64x128xi32>
    tpu.vector_store %arg5[%swap3A, %swap3A_711, %swap3A_712], %swap3A_714 {strides = array<i32>} : memref<4x64x128xi32, #tpu.memory_space<vmem>>, vector<4x64x128xi32>,
    %slice3A_717 = vector.extract_strided_slice %select_n3A_701 {offsets = [0, 0, 0], sizes = [4, 32, 128], strides = [1, 1, 1]} : vector<4x64x128xi32> to vector<4x32x128xi32>
    %swap3A_718 = arith.constant 0 : index
    %swap3A_719 = arith.constant 0 : index
    %swap3A_720 = arith.constant 0 : index
    %swap3A_721 = vector.load %arg4[%swap3A_718, %swap3A_719, %swap3A_720] : memref<4x32x128xi32, #tpu.memory_space<vmem>>, vector<4x32x128xi32>
    tpu.vector_store %arg4[%swap3A_718, %swap3A_719, %swap3A_720], %slice3A_717 {strides = array<i32>} : memref<4x32x128xi32, #tpu.memory_space<vmem>>, vector<4x32x128xi32>,
    %iota3A_722 = tpu.iota {dimensions = array<i32: 0>} : vector<4x128xi32>
    %iota3A_723 = tpu.iota {dimensions = array<i32: 1>} : vector<4x128xi32>
    %mul3A = arith.constant 128 : i32
    %mul3A_724 = vector.broadcast %mul3A : i32 to vector<4x128xi32>
    %mul3A_725 = arith.muli %iota3A_722, %mul3A_724 : vector<4x128xi32>
    %add3A = arith.addi %mul3A_725, %iota3A_723 : vector<4x128xi32>
    %broadcast_in_dim3A_726 = arith.constant 0 : i32
    %broadcast_in_dim3A_727 = vector.broadcast %broadcast_in_dim3A_726 : i32 to vector<4x128xi32>
    %add3A_728 = arith.constant 0 : i32
    %add3A_729 = vector.broadcast %add3A_728 : i32 to vector<4x128xi32>
    %add3A_730 = arith.addi %broadcast_in_dim3A_727, %add3A_729 : vector<4x128xi32>
    %add3A_731 = arith.constant 1235 : i32
    %add3A_732 = vector.broadcast %add3A_731 : i32 to vector<4x128xi32>
    %add3A_733 = arith.addi %add3A, %add3A_732 : vector<4x128xi32>
    %add3A_734 = arith.addi %add3A_730, %add3A_733 : vector<4x128xi32>
    %shift_left3A = arith.constant 13 : i32
    %shift_left3A_735 = vector.broadcast %shift_left3A : i32 to vector<4x128xi32>
    %shift_left3A_736 = arith.shli %add3A_733, %shift_left3A_735 : vector<4x128xi32>
    %shift_right_logical3A = arith.constant 19 : i32
    %shift_right_logical3A_737 = vector.broadcast %shift_right_logical3A : i32 to vector<4x128xi32>
    %shift_right_logical3A_738 = arith.shrui %add3A_733, %shift_right_logical3A_737 : vector<4x128xi32>
    %or3A_739 = arith.ori %shift_left3A_736, %shift_right_logical3A_738 : vector<4x128xi32>
    %xor3A = arith.xori %or3A_739, %add3A_734 : vector<4x128xi32>
    %add3A_740 = arith.addi %add3A_734, %xor3A : vector<4x128xi32>
    %shift_left3A_741 = arith.constant 15 : i32
    %shift_left3A_742 = vector.broadcast %shift_left3A_741 : i32 to vector<4x128xi32>
    %shift_left3A_743 = arith.shli %xor3A, %shift_left3A_742 : vector<4x128xi32>
    %shift_right_logical3A_744 = arith.constant 17 : i32
    %shift_right_logical3A_745 = vector.broadcast %shift_right_logical3A_744 : i32 to vector<4x128xi32>
    %shift_right_logical3A_746 = arith.shrui %xor3A, %shift_right_logical3A_745 : vector<4x128xi32>
    %or3A_747 = arith.ori %shift_left3A_743, %shift_right_logical3A_746 : vector<4x128xi32>
    %xor3A_748 = arith.xori %or3A_747, %add3A_740 : vector<4x128xi32>
    %add3A_749 = arith.addi %add3A_740, %xor3A_748 : vector<4x128xi32>
    %shift_left3A_750 = arith.constant 26 : i32
    %shift_left3A_751 = vector.broadcast %shift_left3A_750 : i32 to vector<4x128xi32>
    %shift_left3A_752 = arith.shli %xor3A_748, %shift_left3A_751 : vector<4x128xi32>
    %shift_right_logical3A_753 = arith.constant 6 : i32
    %shift_right_logical3A_754 = vector.broadcast %shift_right_logical3A_753 : i32 to vector<4x128xi32>
    %shift_right_logical3A_755 = arith.shrui %xor3A_748, %shift_right_logical3A_754 : vector<4x128xi32>
    %or3A_756 = arith.ori %shift_left3A_752, %shift_right_logical3A_755 : vector<4x128xi32>
    %xor3A_757 = arith.xori %or3A_756, %add3A_749 : vector<4x128xi32>
    %add3A_758 = arith.addi %add3A_749, %xor3A_757 : vector<4x128xi32>
    %shift_left3A_759 = arith.constant 6 : i32
    %shift_left3A_760 = vector.broadcast %shift_left3A_759 : i32 to vector<4x128xi32>
    %shift_left3A_761 = arith.shli %xor3A_757, %shift_left3A_760 : vector<4x128xi32>
    %shift_right_logical3A_762 = arith.constant 26 : i32
    %shift_right_logical3A_763 = vector.broadcast %shift_right_logical3A_762 : i32 to vector<4x128xi32>
    %shift_right_logical3A_764 = arith.shrui %xor3A_757, %shift_right_logical3A_763 : vector<4x128xi32>
    %or3A_765 = arith.ori %shift_left3A_761, %shift_right_logical3A_764 : vector<4x128xi32>
    %xor3A_766 = arith.xori %or3A_765, %add3A_758 : vector<4x128xi32>
    %add3A_767 = arith.constant 1235 : i32
    %add3A_768 = vector.broadcast %add3A_767 : i32 to vector<4x128xi32>
    %add3A_769 = arith.addi %add3A_758, %add3A_768 : vector<4x128xi32>
    %add3A_770 = arith.constant 466689801 : i32
    %add3A_771 = vector.broadcast %add3A_770 : i32 to vector<4x128xi32>
    %add3A_772 = arith.addi %xor3A_766, %add3A_771 : vector<4x128xi32>
    %add3A_773 = arith.constant 1 : i32
    %add3A_774 = vector.broadcast %add3A_773 : i32 to vector<4x128xi32>
    %add3A_775 = arith.addi %add3A_772, %add3A_774 : vector<4x128xi32>
    %add3A_776 = arith.addi %add3A_769, %add3A_775 : vector<4x128xi32>
    %shift_left3A_777 = arith.constant 17 : i32
    %shift_left3A_778 = vector.broadcast %shift_left3A_777 : i32 to vector<4x128xi32>
    %shift_left3A_779 = arith.shli %add3A_775, %shift_left3A_778 : vector<4x128xi32>
    %shift_right_logical3A_780 = arith.constant 15 : i32
    %shift_right_logical3A_781 = vector.broadcast %shift_right_logical3A_780 : i32 to vector<4x128xi32>
    %shift_right_logical3A_782 = arith.shrui %add3A_775, %shift_right_logical3A_781 : vector<4x128xi32>
    %or3A_783 = arith.ori %shift_left3A_779, %shift_right_logical3A_782 : vector<4x128xi32>
    %xor3A_784 = arith.xori %or3A_783, %add3A_776 : vector<4x128xi32>
    %add3A_785 = arith.addi %add3A_776, %xor3A_784 : vector<4x128xi32>
    %shift_left3A_786 = arith.constant 29 : i32
    %shift_left3A_787 = vector.broadcast %shift_left3A_786 : i32 to vector<4x128xi32>
    %shift_left3A_788 = arith.shli %xor3A_784, %shift_left3A_787 : vector<4x128xi32>
    %shift_right_logical3A_789 = arith.constant 3 : i32
    %shift_right_logical3A_790 = vector.broadcast %shift_right_logical3A_789 : i32 to vector<4x128xi32>
    %shift_right_logical3A_791 = arith.shrui %xor3A_784, %shift_right_logical3A_790 : vector<4x128xi32>
    %or3A_792 = arith.ori %shift_left3A_788, %shift_right_logical3A_791 : vector<4x128xi32>
    %xor3A_793 = arith.xori %or3A_792, %add3A_785 : vector<4x128xi32>
    %add3A_794 = arith.addi %add3A_785, %xor3A_793 : vector<4x128xi32>
    %shift_left3A_795 = arith.constant 16 : i32
    %shift_left3A_796 = vector.broadcast %shift_left3A_795 : i32 to vector<4x128xi32>
    %shift_left3A_797 = arith.shli %xor3A_793, %shift_left3A_796 : vector<4x128xi32>
    %shift_right_logical3A_798 = arith.constant 16 : i32
    %shift_right_logical3A_799 = vector.broadcast %shift_right_logical3A_798 : i32 to vector<4x128xi32>
    %shift_right_logical3A_800 = arith.shrui %xor3A_793, %shift_right_logical3A_799 : vector<4x128xi32>
    %or3A_801 = arith.ori %shift_left3A_797, %shift_right_logical3A_800 : vector<4x128xi32>
    %xor3A_802 = arith.xori %or3A_801, %add3A_794 : vector<4x128xi32>
    %add3A_803 = arith.addi %add3A_794, %xor3A_802 : vector<4x128xi32>
    %shift_left3A_804 = arith.constant 24 : i32
    %shift_left3A_805 = vector.broadcast %shift_left3A_804 : i32 to vector<4x128xi32>
    %shift_left3A_806 = arith.shli %xor3A_802, %shift_left3A_805 : vector<4x128xi32>
    %shift_right_logical3A_807 = arith.constant 8 : i32
    %shift_right_logical3A_808 = vector.broadcast %shift_right_logical3A_807 : i32 to vector<4x128xi32>
    %shift_right_logical3A_809 = arith.shrui %xor3A_802, %shift_right_logical3A_808 : vector<4x128xi32>
    %or3A_810 = arith.ori %shift_left3A_806, %shift_right_logical3A_809 : vector<4x128xi32>
    %xor3A_811 = arith.xori %or3A_810, %add3A_803 : vector<4x128xi32>
    %add3A_812 = arith.constant 466689801 : i32
    %add3A_813 = vector.broadcast %add3A_812 : i32 to vector<4x128xi32>
    %add3A_814 = arith.addi %add3A_803, %add3A_813 : vector<4x128xi32>
    %add3A_815 = arith.constant 0 : i32
    %add3A_816 = vector.broadcast %add3A_815 : i32 to vector<4x128xi32>
    %add3A_817 = arith.addi %xor3A_811, %add3A_816 : vector<4x128xi32>
    %add3A_818 = arith.constant 2 : i32
    %add3A_819 = vector.broadcast %add3A_818 : i32 to vector<4x128xi32>
    %add3A_820 = arith.addi %add3A_817, %add3A_819 : vector<4x128xi32>
    %add3A_821 = arith.addi %add3A_814, %add3A_820 : vector<4x128xi32>
    %shift_left3A_822 = arith.constant 13 : i32
    %shift_left3A_823 = vector.broadcast %shift_left3A_822 : i32 to vector<4x128xi32>
    %shift_left3A_824 = arith.shli %add3A_820, %shift_left3A_823 : vector<4x128xi32>
    %shift_right_logical3A_825 = arith.constant 19 : i32
    %shift_right_logical3A_826 = vector.broadcast %shift_right_logical3A_825 : i32 to vector<4x128xi32>
    %shift_right_logical3A_827 = arith.shrui %add3A_820, %shift_right_logical3A_826 : vector<4x128xi32>
    %or3A_828 = arith.ori %shift_left3A_824, %shift_right_logical3A_827 : vector<4x128xi32>
    %xor3A_829 = arith.xori %or3A_828, %add3A_821 : vector<4x128xi32>
    %add3A_830 = arith.addi %add3A_821, %xor3A_829 : vector<4x128xi32>
    %shift_left3A_831 = arith.constant 15 : i32
    %shift_left3A_832 = vector.broadcast %shift_left3A_831 : i32 to vector<4x128xi32>
    %shift_left3A_833 = arith.shli %xor3A_829, %shift_left3A_832 : vector<4x128xi32>
    %shift_right_logical3A_834 = arith.constant 17 : i32
    %shift_right_logical3A_835 = vector.broadcast %shift_right_logical3A_834 : i32 to vector<4x128xi32>
    %shift_right_logical3A_836 = arith.shrui %xor3A_829, %shift_right_logical3A_835 : vector<4x128xi32>
    %or3A_837 = arith.ori %shift_left3A_833, %shift_right_logical3A_836 : vector<4x128xi32>
    %xor3A_838 = arith.xori %or3A_837, %add3A_830 : vector<4x128xi32>
    %add3A_839 = arith.addi %add3A_830, %xor3A_838 : vector<4x128xi32>
    %shift_left3A_840 = arith.constant 26 : i32
    %shift_left3A_841 = vector.broadcast %shift_left3A_840 : i32 to vector<4x128xi32>
    %shift_left3A_842 = arith.shli %xor3A_838, %shift_left3A_841 : vector<4x128xi32>
    %shift_right_logical3A_843 = arith.constant 6 : i32
    %shift_right_logical3A_844 = vector.broadcast %shift_right_logical3A_843 : i32 to vector<4x128xi32>
    %shift_right_logical3A_845 = arith.shrui %xor3A_838, %shift_right_logical3A_844 : vector<4x128xi32>
    %or3A_846 = arith.ori %shift_left3A_842, %shift_right_logical3A_845 : vector<4x128xi32>
    %xor3A_847 = arith.xori %or3A_846, %add3A_839 : vector<4x128xi32>
    %add3A_848 = arith.addi %add3A_839, %xor3A_847 : vector<4x128xi32>
    %shift_left3A_849 = arith.constant 6 : i32
    %shift_left3A_850 = vector.broadcast %shift_left3A_849 : i32 to vector<4x128xi32>
    %shift_left3A_851 = arith.shli %xor3A_847, %shift_left3A_850 : vector<4x128xi32>
    %shift_right_logical3A_852 = arith.constant 26 : i32
    %shift_right_logical3A_853 = vector.broadcast %shift_right_logical3A_852 : i32 to vector<4x128xi32>
    %shift_right_logical3A_854 = arith.shrui %xor3A_847, %shift_right_logical3A_853 : vector<4x128xi32>
    %or3A_855 = arith.ori %shift_left3A_851, %shift_right_logical3A_854 : vector<4x128xi32>
    %xor3A_856 = arith.xori %or3A_855, %add3A_848 : vector<4x128xi32>
    %add3A_857 = arith.constant 0 : i32
    %add3A_858 = vector.broadcast %add3A_857 : i32 to vector<4x128xi32>
    %add3A_859 = arith.addi %add3A_848, %add3A_858 : vector<4x128xi32>
    %add3A_860 = arith.constant 1235 : i32
    %add3A_861 = vector.broadcast %add3A_860 : i32 to vector<4x128xi32>
    %add3A_862 = arith.addi %xor3A_856, %add3A_861 : vector<4x128xi32>
    %add3A_863 = arith.constant 3 : i32
    %add3A_864 = vector.broadcast %add3A_863 : i32 to vector<4x128xi32>
    %add3A_865 = arith.addi %add3A_862, %add3A_864 : vector<4x128xi32>
    %add3A_866 = arith.addi %add3A_859, %add3A_865 : vector<4x128xi32>
    %shift_left3A_867 = arith.constant 17 : i32
    %shift_left3A_868 = vector.broadcast %shift_left3A_867 : i32 to vector<4x128xi32>
    %shift_left3A_869 = arith.shli %add3A_865, %shift_left3A_868 : vector<4x128xi32>
    %shift_right_logical3A_870 = arith.constant 15 : i32
    %shift_right_logical3A_871 = vector.broadcast %shift_right_logical3A_870 : i32 to vector<4x128xi32>
    %shift_right_logical3A_872 = arith.shrui %add3A_865, %shift_right_logical3A_871 : vector<4x128xi32>
    %or3A_873 = arith.ori %shift_left3A_869, %shift_right_logical3A_872 : vector<4x128xi32>
    %xor3A_874 = arith.xori %or3A_873, %add3A_866 : vector<4x128xi32>
    %add3A_875 = arith.addi %add3A_866, %xor3A_874 : vector<4x128xi32>
    %shift_left3A_876 = arith.constant 29 : i32
    %shift_left3A_877 = vector.broadcast %shift_left3A_876 : i32 to vector<4x128xi32>
    %shift_left3A_878 = arith.shli %xor3A_874, %shift_left3A_877 : vector<4x128xi32>
    %shift_right_logical3A_879 = arith.constant 3 : i32
    %shift_right_logical3A_880 = vector.broadcast %shift_right_logical3A_879 : i32 to vector<4x128xi32>
    %shift_right_logical3A_881 = arith.shrui %xor3A_874, %shift_right_logical3A_880 : vector<4x128xi32>
    %or3A_882 = arith.ori %shift_left3A_878, %shift_right_logical3A_881 : vector<4x128xi32>
    %xor3A_883 = arith.xori %or3A_882, %add3A_875 : vector<4x128xi32>
    %add3A_884 = arith.addi %add3A_875, %xor3A_883 : vector<4x128xi32>
    %shift_left3A_885 = arith.constant 16 : i32
    %shift_left3A_886 = vector.broadcast %shift_left3A_885 : i32 to vector<4x128xi32>
    %shift_left3A_887 = arith.shli %xor3A_883, %shift_left3A_886 : vector<4x128xi32>
    %shift_right_logical3A_888 = arith.constant 16 : i32
    %shift_right_logical3A_889 = vector.broadcast %shift_right_logical3A_888 : i32 to vector<4x128xi32>
    %shift_right_logical3A_890 = arith.shrui %xor3A_883, %shift_right_logical3A_889 : vector<4x128xi32>
    %or3A_891 = arith.ori %shift_left3A_887, %shift_right_logical3A_890 : vector<4x128xi32>
    %xor3A_892 = arith.xori %or3A_891, %add3A_884 : vector<4x128xi32>
    %add3A_893 = arith.addi %add3A_884, %xor3A_892 : vector<4x128xi32>
    %shift_left3A_894 = arith.constant 24 : i32
    %shift_left3A_895 = vector.broadcast %shift_left3A_894 : i32 to vector<4x128xi32>
    %shift_left3A_896 = arith.shli %xor3A_892, %shift_left3A_895 : vector<4x128xi32>
    %shift_right_logical3A_897 = arith.constant 8 : i32
    %shift_right_logical3A_898 = vector.broadcast %shift_right_logical3A_897 : i32 to vector<4x128xi32>
    %shift_right_logical3A_899 = arith.shrui %xor3A_892, %shift_right_logical3A_898 : vector<4x128xi32>
    %or3A_900 = arith.ori %shift_left3A_896, %shift_right_logical3A_899 : vector<4x128xi32>
    %xor3A_901 = arith.xori %or3A_900, %add3A_893 : vector<4x128xi32>
    %add3A_902 = arith.constant 1235 : i32
    %add3A_903 = vector.broadcast %add3A_902 : i32 to vector<4x128xi32>
    %add3A_904 = arith.addi %add3A_893, %add3A_903 : vector<4x128xi32>
    %add3A_905 = arith.constant 466689801 : i32
    %add3A_906 = vector.broadcast %add3A_905 : i32 to vector<4x128xi32>
    %add3A_907 = arith.addi %xor3A_901, %add3A_906 : vector<4x128xi32>
    %add3A_908 = arith.constant 4 : i32
    %add3A_909 = vector.broadcast %add3A_908 : i32 to vector<4x128xi32>
    %add3A_910 = arith.addi %add3A_907, %add3A_909 : vector<4x128xi32>
    %add3A_911 = arith.addi %add3A_904, %add3A_910 : vector<4x128xi32>
    %shift_left3A_912 = arith.constant 13 : i32
    %shift_left3A_913 = vector.broadcast %shift_left3A_912 : i32 to vector<4x128xi32>
    %shift_left3A_914 = arith.shli %add3A_910, %shift_left3A_913 : vector<4x128xi32>
    %shift_right_logical3A_915 = arith.constant 19 : i32
    %shift_right_logical3A_916 = vector.broadcast %shift_right_logical3A_915 : i32 to vector<4x128xi32>
    %shift_right_logical3A_917 = arith.shrui %add3A_910, %shift_right_logical3A_916 : vector<4x128xi32>
    %or3A_918 = arith.ori %shift_left3A_914, %shift_right_logical3A_917 : vector<4x128xi32>
    %xor3A_919 = arith.xori %or3A_918, %add3A_911 : vector<4x128xi32>
    %add3A_920 = arith.addi %add3A_911, %xor3A_919 : vector<4x128xi32>
    %shift_left3A_921 = arith.constant 15 : i32
    %shift_left3A_922 = vector.broadcast %shift_left3A_921 : i32 to vector<4x128xi32>
    %shift_left3A_923 = arith.shli %xor3A_919, %shift_left3A_922 : vector<4x128xi32>
    %shift_right_logical3A_924 = arith.constant 17 : i32
    %shift_right_logical3A_925 = vector.broadcast %shift_right_logical3A_924 : i32 to vector<4x128xi32>
    %shift_right_logical3A_926 = arith.shrui %xor3A_919, %shift_right_logical3A_925 : vector<4x128xi32>
    %or3A_927 = arith.ori %shift_left3A_923, %shift_right_logical3A_926 : vector<4x128xi32>
    %xor3A_928 = arith.xori %or3A_927, %add3A_920 : vector<4x128xi32>
    %add3A_929 = arith.addi %add3A_920, %xor3A_928 : vector<4x128xi32>
    %shift_left3A_930 = arith.constant 26 : i32
    %shift_left3A_931 = vector.broadcast %shift_left3A_930 : i32 to vector<4x128xi32>
    %shift_left3A_932 = arith.shli %xor3A_928, %shift_left3A_931 : vector<4x128xi32>
    %shift_right_logical3A_933 = arith.constant 6 : i32
    %shift_right_logical3A_934 = vector.broadcast %shift_right_logical3A_933 : i32 to vector<4x128xi32>
    %shift_right_logical3A_935 = arith.shrui %xor3A_928, %shift_right_logical3A_934 : vector<4x128xi32>
    %or3A_936 = arith.ori %shift_left3A_932, %shift_right_logical3A_935 : vector<4x128xi32>
    %xor3A_937 = arith.xori %or3A_936, %add3A_929 : vector<4x128xi32>
    %add3A_938 = arith.addi %add3A_929, %xor3A_937 : vector<4x128xi32>
    %shift_left3A_939 = arith.constant 6 : i32
    %shift_left3A_940 = vector.broadcast %shift_left3A_939 : i32 to vector<4x128xi32>
    %shift_left3A_941 = arith.shli %xor3A_937, %shift_left3A_940 : vector<4x128xi32>
    %shift_right_logical3A_942 = arith.constant 26 : i32
    %shift_right_logical3A_943 = vector.broadcast %shift_right_logical3A_942 : i32 to vector<4x128xi32>
    %shift_right_logical3A_944 = arith.shrui %xor3A_937, %shift_right_logical3A_943 : vector<4x128xi32>
    %or3A_945 = arith.ori %shift_left3A_941, %shift_right_logical3A_944 : vector<4x128xi32>
    %xor3A_946 = arith.xori %or3A_945, %add3A_938 : vector<4x128xi32>
    %add3A_947 = arith.constant 466689801 : i32
    %add3A_948 = vector.broadcast %add3A_947 : i32 to vector<4x128xi32>
    %add3A_949 = arith.addi %add3A_938, %add3A_948 : vector<4x128xi32>
    %add3A_950 = arith.constant 0 : i32
    %add3A_951 = vector.broadcast %add3A_950 : i32 to vector<4x128xi32>
    %add3A_952 = arith.addi %xor3A_946, %add3A_951 : vector<4x128xi32>
    %add3A_953 = arith.constant 5 : i32
    %add3A_954 = vector.broadcast %add3A_953 : i32 to vector<4x128xi32>
    %add3A_955 = arith.addi %add3A_952, %add3A_954 : vector<4x128xi32>
    %xor3A_956 = arith.xori %add3A_949, %add3A_955 : vector<4x128xi32>
    %shift_right_logical3A_957 = arith.constant 9 : i32
    %shift_right_logical3A_958 = vector.broadcast %shift_right_logical3A_957 : i32 to vector<4x128xi32>
    %shift_right_logical3A_959 = arith.shrui %xor3A_956, %shift_right_logical3A_958 : vector<4x128xi32>
    %gt3A_960 = arith.constant 4194304 : i32
    %gt3A_961 = vector.broadcast %gt3A_960 : i32 to vector<4x128xi32>
    %gt3A_962 = arith.cmpi ugt, %shift_right_logical3A_959, %gt3A_961 : vector<4x128xi32>
    %get3A_963 = arith.constant 0 : index
    %get3A_964 = arith.constant 0 : index
    %get3A_965 = vector.load %arg3[%get3A_963, %get3A_964] : memref<4x128xi32, #tpu.memory_space<vmem>>, vector<4x128xi32>
    %get3A_966 = arith.constant dense<0> : vector<4x128xi32>
    %get3A_967 = arith.cmpi ne, %get3A_965, %get3A_966 : vector<4x128xi32>
    %not3A_968 = arith.constant dense<true> : vector<4x128xi1>
    %not3A_969 = arith.xori %get3A_967, %not3A_968 : vector<4x128xi1>
    %or3A_970 = arith.ori %gt3A_962, %not3A_969 : vector<4x128xi1>
    %swap3A_971 = arith.constant 0 : index
    %swap3A_972 = arith.constant 0 : index
    %swap3A_973 = vector.load %arg6[%swap3A_971, %swap3A_972] : memref<4x128xi32, #tpu.memory_space<vmem>>, vector<4x128xi32>
    %swap3A_974 = arith.extui %or3A_970 : vector<4x128xi1> to vector<4x128xi32>
    %swap3A_975 = arith.constant dense<0> : vector<4x128xi32>
    %swap3A_976 = arith.cmpi ne, %swap3A_973, %swap3A_975 : vector<4x128xi32>
    tpu.vector_store %arg6[%swap3A_971, %swap3A_972], %swap3A_974 {strides = array<i32>} : memref<4x128xi32, #tpu.memory_space<vmem>>, vector<4x128xi32>,
    return
  }
}

</mosaic_0001>

<sc_bundles>
// kernel: kernel.5.cloned.1.call-start
scs
__scs_entry_jumppad:
0x0: {  	(pc) =	sbr.rel $0x88, $3  }
0x1: {  	(tag) =	ssettag $0x0;
	lr =	simm.s32 $0x1  }
0x2: {  	[smem:$0x3FA0] =	sst lr;
	_ =	strace $0xD0000000  }
0x3: {  	_ = 	snop  }
0x4: {  	_ = 	snop  }
0x5: {  	_ = 	snop  }
0x6: {  	_ = 	snop  }
0x7: {  	_ = 	snop  }
__scs_overlays_trampoline_lowered:
0x8: {  	[smem:$0x3FAF] =	sst s0  }
0x9: {  	[smem:$0x3FB0] =	sst s1  }
0xa: {  	[smem:$0x3FB1] =	sst s2  }
0xb: {  	[smem:$0x3FB2] =	sst s3  }
0xc: {  	[smem:$0x3FB3] =	sst s4  }
0xd: {  	[smem:$0x3FB4] =	sst s5  }
0xe: {  	[smem:$0x3FB5] =	sst s6  }
0xf: {  	[smem:$0x3FB6] =	sst s7  }
0x10: {  	[smem:$0x3FB7] =	sst s8  }
0x11: {  	[smem:$0x3FB8] =	sst s9;
	s0 =	simm.s32 @!p0 $0x0  }
0x12: {  	s1 =	sld [smem:$0x3F9E];
	s0 =	simm.s32 @p0 $0x1  }
0x13: {  	[smem:$0x3FB9] =	sst s0;
	s0 =	simm.s32 @!p1 $0x0  }
0x14: {  	s2 =	sld [smem:$0x3F9D];
	s0 =	simm.s32 @p1 $0x1  }
0x15: {  	[smem:$0x3FBA] =	sst s0;
	s0 =	simm.s32 @!p2 $0x0  }
0x16: {  	s3 =	sld [smem:$0x3FDB];
	s0 =	simm.s32 @p2 $0x1  }
0x17: {  	s4 =	simm.s32 $0x1BF5;
	[smem:$0x3FBC] =	sst s0  }
0x18: {  	s0 =	sld [smem:$0x3F9F];
	_ =	swait.ge [sflag:s4], $0x0  }
0x19: {  	s7 =	sld [smem:$0x3FA0]  }
0x1a: {  	s8 =	sadd.s32 $0xFFFFE003, lr  }
0x1b: {  	s9 =	sadd.s32 $0xFFFFFEF7, lr;
	s5 =	simm.s32 $0xFFFFFFFF;
	p2 =	slt.u32 s8, $0xFFFFF086  }
0x1c: {  	p1 =	slt.u32 s9, $0xF7A;
	s5 =	simm.s32 @!p2 $0x0  }
0x1d: {  	s5 =	simm.s32 @p1 $0x1;
	p0 =	seq.s32 s7, s2  }
0x1e: {  	s7 =	smul.u32 @!p0 $0xF7A, s2;
	p2 =	seq.s32 @!p0 s5, $0x0  }
0x1f: {  	s9 =	smul.u32 $0xF7A, s1;
	s8 =	simm.s32 @!p0 $0x1BF5;
	p2 =	por !p2, p0  }
0x20: {  	[sflag:s8] =	ssyncset.s32 @!p0 $0xFFFFF086;
	s6 =	sadd.s32 @!p0 s3, s7;
	s7 =	simm.s32 @!p0 $0x108  }
0x21: {  	s3 =	sadd.s32 s3, s9;
	s6 =	sadd.s32 @!p0 $0x88, s6;
	s7 =	simm.s32 @p2 $0x1082  }
0x22: {  	[simem:s7], [sflag:s8] =	dma.local @!p0 [hbm:s6], $0xF7A  }
0x23: {  	s9 =	sor.u32 $0xD0000000, s2;
	s6 =	simm.s32 $0x108;
	_ =	swait.ge @!p0 [sflag:s8], $0x0  }
0x24: {  	s3 =	sadd.s32 $0x88, s3;
	s6 =	simm.s32 @!p1 $0x1082;
	[sflag:s4] =	ssyncset.s32 $0xFFFFF086  }
0x25: {  	[simem:s6], [sflag:s4] =	dma.local [hbm:s3], $0xF7A  }
0x26: {  	[smem:$0x3FA0] =	sst s1;
	(tag) =	ssettag s2;
	_ =	strace s9  }
0x27: {  	s1 =	sld [smem:$0x3FB0]  }
0x28: {  	s2 =	sld [smem:$0x3FB1]  }
0x29: {  	s4 =	sld [smem:$0x3FB3]  }
0x2a: {  	p0 =	seq.s32 s5, $0x0;
	s5 =	sld [smem:$0x3FB4]  }
0x2b: {  	s6 =	sld [smem:$0x3FB5]  }
0x2c: {  	s7 =	sld [smem:$0x3FB6]  }
0x2d: {  	s3 =	simm.s32 $0x108;
	s8 =	sld [smem:$0x3FB7]  }
0x2e: {  	s3 =	simm.s32 @!p0 $0x1082;
	s9 =	sld [smem:$0x3FB8]  }
0x2f: {  	lr =	sadd.s32 s0, s3;
	s0 =	sld [smem:$0x3FAF]  }
0x30: {  	s3 =	sld [smem:$0x3FB2]  }
0x31: {  	[smem:$0x3FBB] =	sst s10  }
0x32: {  	s10 =	sld [smem:$0x3FB9];
	_ =	sdelay $0x3  }
0x33: {  	p0 =	seq.s32 s10, $0x1;
	s10 =	sld [smem:$0x3FBB];
	_ =	sdelay $0x3  }
0x34: {  	[smem:$0x3FBB] =	sst s10  }
0x35: {  	s10 =	sld [smem:$0x3FBA];
	_ =	sdelay $0x3  }
0x36: {  	p1 =	seq.s32 s10, $0x1;
	s10 =	sld [smem:$0x3FBB];
	_ =	sdelay $0x3  }
0x37: {  	[smem:$0x3FBB] =	sst s10  }
0x38: {  	s10 =	sld [smem:$0x3FBC]  }
0x39: {  	_ = 	snop;
	(pc) =	sbr.ind lr, $3  }
0x3a: {  	_ = 	snop  }
0x3b: {  	_ = 	snop  }
0x3c: {  	p2 =	seq.s32 s10, $0x1;
	s10 =	sld [smem:$0x3FBB]  }
0x3d: {  	_ =	shalt  }
0x3e: {  	_ =	shalt  }
0x3f: {  	_ =	shalt  }
0x40: {  	_ =	shalt  }
0x41: {  	_ =	shalt  }
0x42: {  	_ =	shalt  }
0x43: {  	_ =	shalt  }
0x44: {  	_ =	shalt  }
0x45: {  	_ =	shalt  }
0x46: {  	_ =	shalt  }
0x47: {  	_ =	shalt  }
0x48: {  	_ =	shalt  }
0x49: {  	_ =	shalt  }
0x4a: {  	_ =	shalt  }
0x4b: {  	_ =	shalt  }
0x4c: {  	_ =	shalt  }
0x4d: {  	_ =	shalt  }
0x4e: {  	_ =	shalt  }
0x4f: {  	_ =	shalt  }
0x50: {  	_ =	shalt  }
0x51: {  	_ =	shalt  }
0x52: {  	_ =	shalt  }
0x53: {  	_ =	shalt  }
0x54: {  	_ =	shalt  }
0x55: {  	_ =	shalt  }
0x56: {  	_ =	shalt  }
0x57: {  	_ =	shalt  }
0x58: {  	_ =	shalt  }
0x59: {  	_ =	shalt  }
0x5a: {  	_ =	shalt  }
0x5b: {  	_ =	shalt  }
0x5c: {  	_ =	shalt  }
0x5d: {  	_ =	shalt  }
0x5e: {  	_ =	shalt  }
0x5f: {  	_ =	shalt  }
0x60: {  	_ =	shalt  }
0x61: {  	_ =	shalt  }
0x62: {  	_ =	shalt  }
0x63: {  	_ =	shalt  }
0x64: {  	_ =	shalt  }
0x65: {  	_ =	shalt  }
0x66: {  	_ =	shalt  }
0x67: {  	_ =	shalt  }
0x68: {  	_ =	shalt  }
0x69: {  	_ =	shalt  }
0x6a: {  	_ =	shalt  }
0x6b: {  	_ =	shalt  }
0x6c: {  	_ =	shalt  }
0x6d: {  	_ =	shalt  }
0x6e: {  	_ =	shalt  }
0x6f: {  	_ =	shalt  }
0x70: {  	_ =	shalt  }
0x71: {  	_ =	shalt  }
0x72: {  	_ =	shalt  }
0x73: {  	_ =	shalt  }
0x74: {  	_ =	shalt  }
0x75: {  	_ =	shalt  }
0x76: {  	_ =	shalt  }
0x77: {  	_ =	shalt  }
0x78: {  	_ =	shalt  }
0x79: {  	_ =	shalt  }
0x7a: {  	_ =	shalt  }
0x7b: {  	_ =	shalt  }
0x7c: {  	_ =	shalt  }
0x7d: {  	_ =	shalt  }
0x7e: {  	_ =	shalt  }
0x7f: {  	_ =	shalt  }
0x80: {  	_ =	shalt  }
0x81: {  	_ =	shalt  }
0x82: {  	_ =	shalt  }
0x83: {  	_ =	shalt  }
0x84: {  	_ =	shalt  }
0x85: {  	_ =	shalt  }
0x86: {  	_ =	shalt  }
0x87: {  	_ =	shalt  }
.Lfunc_end0:
.L_simem_size_0:
called_computation_lowered:
.L_overlay_start_0:
0x88: {  	s0 =	sld [smem:$0x3FD9]  }
0x89: {  	s1 =	sld [smem:$0x3FFE];
	_ =	sdelay $0x3  }
0x8a: {  	s0 =	sadd.s32 s1, s0  }
0x8b: {  	[smem:$0x3FC7] =	sst s0  }
0x8c: {  	_ = 	snop  }
0x8d: {  	s0 =	sld [smem:$0x3FD0];
	_ =	sdelay $0x2  }
0x8e: {  	s13 =	simm.s32 $0xA;
	s2 =	simm.s32 $0x10  }
0x8f: {  	[smem:s2], [sflag:s13] =	dma.local [hbm:s0], $0x1  }
0x90: {  	_ =	swait.eq [sflag:s13], $0x1  }
0x91: {  	[sflag:s13] =	ssyncset.done $0x0  }
0x92: {  	[sflag:s13] =	ssyncadd.s32 $0xFFFFFFFF  }
0x93: {  	s14 =	sld [smem:$0x11];
	(tm) =	ssettm $0x1  }
0x94: {  	s15 =	sld [smem:$0x3FFB];
	_ =	sdelay $0x3  }
0x95: {  	_ =	strace s15  }
0x96: {  	s1 =	sld [smem:$0x3FFC];
	_ =	sdelay $0x3  }
0x97: {  	_ =	strace s1  }
0x98: {  	s1 =	sld [smem:$0x3FFD];
	_ =	sdelay $0x3  }
0x99: {  	_ =	strace s1  }
0x9a: {  	_ =	strace $0x8FFFFFFF  }
0x9b: {  	s16 =	sld [smem:$0x3FDB];
	_ =	sdelay $0x1  }
0x9c: {  	s17 =	simm.s32 $_scs_section_size  }
0x9d: {  	s3 =	simm.s32 $_size__tile_overlayer_lowered;
	s4 =	simm.s32 $_tile_overlayer_lowered  }
0x9e: {  	s20 =	simm.s32 $0x1BFF;
	s19 =	sshll.u32 s4, $0x1;
	s1 =	sadd.s32 s17, s16  }
0x9f: {  	s5 =	simm.s32 $0x0;
	s18 =	sshll.u32 s3, $0x1;
	s3 =	sadd.s32 s19, s1  }
0xa0: {  	[timem:s5], [sflag:s20] =	dma.local [hbm:s3], s18  }
0xa1: {  	_ =	swait.ge [sflag:s20], s18  }
0xa2: {  	s2 =	ssub.s32 $0x0, s18;
	[sflag:s20] =	ssyncset.done $0x0  }
0xa3: {  	[sflag:s20] =	ssyncadd.s32 s2;
	_ =	sdelay $0x1  }
0xa4: {  	s21 =	simm.s32 $0x1B8B  }
0xa5: {  	_ =	swait.ge [sflag:s21], $0x1  }
0xa6: {  	[sflag:s21] =	ssyncset.done $0x0  }
0xa7: {  	s23 =	simm.s32 $0x1B8E;
	s22 =	sld [smem:$0x3FFE];
	[sflag:s21] =	ssyncadd.s32 $0xFFFFFFFF  }
0xa8: {  	s24 =	simm.s32 $execute0_lowered;
	[smem:$0x3FD2] =	sst s23  }
0xa9: {  	s3 =	sshll.u32 s24, $0x1;
	_ =	strace $0x80000046;
	[dreg:$0x1] =	wrdreg $0xFFFFFFFF  }
0xaa: {  	s25 =	simm.s32 $_size_execute0_lowered;
	s1 =	sadd.s32 s1, s3;
	[dreg:$0x0] =	wrdreg $0x0  }
0xab: {  	s3 =	sshll.u32 s25, $0x1;
	[dreg:$0x2] =	wrdreg s1  }
0xac: {  	[dreg:$0x3] =	wrdreg s3  }
0xad: {  	[dreg:$0x4] =	wrdreg $0xC0  }
0xae: {  	_ =	task [dreg:s5], $0x5FFFF  }
0xaf: {  	[dreg:$0x1] =	wrdreg $0xFFFFFFFF  }
0xb0: {  	[dreg:$0x0] =	wrdreg $0x60  }
0xb1: {  	[dreg:$0x2] =	wrdreg s22  }
0xb2: {  	[dreg:$0x3] =	wrdreg s14  }
0xb3: {  	[dreg:$0x4] =	wrdreg $0x9  }
0xb4: {  	_ =	task.clear_ibuf [dreg:s5], $0x5FFFF;
	_ =	strace $0x90000046  }
0xb5: {  	s26 =	simm.s32 $0x9;
	_ =	strace $0x80000048  }
0xb6: {  	_ =	swait.ge [sflag:s26], $0x1  }
0xb7: {  	[sflag:s26] =	ssyncadd.s32 $0xFFFFFFFF  }
0xb8: {  	_ =	strace $0x90000048  }
0xb9: {  	_ =	sfence  }
0xba: {  	s28 =	sld [smem:$0x0];
	_ =	sdelay $0x1  }
0xbb: {  	s29 =	srdreg.scid  }
0xbc: {  	s30 =	sshll.u32 s29, $0xD;
	s31 =	sshrl.u32 s29, $0x2  }
0xbd: {  	s2 =	sand.u32 $0x4000, s30;
	s1 =	sand.u32 $0x1, s29;
	s0 =	sadd.s32 s31, s28  }
0xbe: {  	s1 =	sor.u32 s2, s1;
	s0 =	sshll.u32 s0, $0x11  }
0xbf: {  	s0 =	sor.u32 s0, s1  }
0xc0: {  	s0 =	sadd.s32 $0x8F2B, s0  }
0xc1: {  	[sflag:s0] =	ssyncadd.remote.s32 $0x1  }
0xc2: {  	_ =	sfence.sel $0xFFFF  }
0xc3: {  	[dreg:$0x0] =	wrdreg $0xFFFFFFFF;
	(pc) =	sbr.abs _section_cstart, $3  }
0xc4: {  	[dreg:$0x1] =	wrdreg $0xFFFFFFFF  }
0xc5: {  	_ =	task.clear_ibuf [dreg:s5], $0x2FFFF;
	_ =	strace $0x9FFFFFFF  }
0xc6: {  	(tm) =	ssettm $0x7FFFFFFF  }
0xc7: {  	_ =	shalt  }
tec
execute0_lowered:
.L_overlay_start_1:
0x0: {  	(tag) =	ssettag $0x1  }
0x1: {  	s2 =	rddreg [dreg:$0x0]  }
0x2: {  	s6 =	rddreg [dreg:$0x1];
	s5 =	simm.s32 $0x0  }
0x3: {  	[smem:$0x7FF] =	sst s5  }
0x4: {  	s0 =	rddreg [dreg:$0x2];
	v0 =	vimm.s32 $0x0;
	_ =	strace $0x80000047  }
0x5: {  	(xrf1) =	vunique.msk.u32 $0xffff, v0;
	_ =	sdelay $0xd  }
0x6: {  	_, v0, _ =	vpop (xrf1)  }
0x7: {  	v0 =	vxor.u32 $0x80000000, v0  }
0x8: {  	(xrf0) =	vmin.scan.msk.u32 $0xffff, v0;
	_ =	sdelay $0x5  }
0x9: {  	v0, _, _ =	vpop (xrf0)  }
0xa: {  	(v2sf) =	vpush v0, $0xF;
	_ =	sdelay $0x8  }
0xb: {  	s1 =	stileid.u32  }
0xc: {  	p0 =	sgt.u32 s1, $0x3  }
.Ltmp0:
0xd: {  	_ = 	snop;
	(pc) =	sbr.rel @p0 .LBB2_12-.Ltmp0, $2  }
0xe: {  	_ =	sdelay $0x2  }
0xf: {  	s3 =	spop (v2sf)  }
0x10: {  	s4 =	sadd.s32 $0x1400, s2;
	s7 =	sshll.u32 s1, $0x4  }
0x11: {  	s8 =	simm.s32 $0x80;
	s9 =	simm.s32 $0x200;
	s4 =	sadd.s32 s4, s7  }
0x12: {  	[tilespmem:s5], [sflag:$0x1] =	stream.strided.gather [hbm4b:s4+s8], $0x2000, s9, s8, $0x38;
	[tilespmem:$0xA200] =	vst v63  }
0x13: {  	s4 =	simm.s32 $0x2000  }
0x14: {  	[tilespmem:s4], [sflag:$0x2] =	stream.linear.gather [hbm4b:s6+s5], $0x4000, $0x38;
	[tilespmem:$0xA200] =	vst v63  }
0x15: {  	s25 =	simm.s32 $0x100;
	s26 =	simm.s32 $0x1;
	s5 =	simm.s32 $0x6000  }
0x16: {  	[tilespmem:s5], [sflag:$0x3] =	stream.strided.gather [hbm4b:s6+s8], $0x200, s25, s8, $0x38;
	[tilespmem:$0xA200] =	vst v63  }
0x17: {  	_ =	swait.ge [sflag:s26], $0x2000  }
0x18: {  	[sflag:s26] =	ssyncset.done $0x0  }
0x19: {  	s28 =	simm.s32 $0x2;
	[sflag:s26] =	ssyncadd.s32 $0xFFFFE000  }
0x1a: {  	_ =	swait.ge [sflag:s28], $0x4000  }
0x1b: {  	[sflag:s28] =	ssyncset.done $0x0  }
0x1c: {  	s29 =	simm.s32 $0x3;
	[sflag:s28] =	ssyncadd.s32 $0xFFFFC000  }
0x1d: {  	_ =	swait.ge [sflag:s29], $0x200  }
0x1e: {  	[sflag:s29] =	ssyncset.done $0x0  }
0x1f: {  	s30 =	simm.s32 $0x40;
	[sflag:s29] =	ssyncadd.s32 $0xFFFFFE00  }
0x20: {  	v12 =	vld [tilespmem:s30+$0x0]  }
0x21: {  	v4 =	vld [tilespmem:s30+$0xFFFFFFC0]  }
0x22: {  	v6 =	vld [tilespmem:s30+$0xFFFFFFD0]  }
0x23: {  	v13 =	vld [tilespmem:s30+$0x10]  }
0x24: {  	v3 =	vld [tilespmem:s30+$0xFFFFFFE0]  }
0x25: {  	v5 =	vld [tilespmem:s30+$0xFFFFFFF0]  }
0x26: {  	v2 =	vld [tilespmem:s30+$0x20];
	_ =	sdelay $0x1  }
0x27: {  	v0 =	vshrl.u32 v4, $0x13  }
0x28: {  	v1 =	vshrl.u32 v4, $0x12;
	v11 =	vshrl.u32 v12, $0x12;
	v14 =	vshrl.u32 v4, $0x17  }
0x29: {  	v4 =	vshrl.u32 v3, $0x12;
	v9 =	vshrl.u32 v5, $0x13;
	v10 =	vshrl.u32 v13, $0x13  }
0x2a: {  	v16 =	vshrl.u32 v6, $0x13;
	v18 =	vshrl.u32 v13, $0x12;
	v19 =	vshrl.u32 v2, $0x12  }
0x2b: {  	s3 =	sxor.u32 $0x80000000, s3;
	v20 =	vshrl.u32 v3, $0x13;
	v7 =	vand.u32 $0x7F, v0;
	v8 =	vand.u32 $0x3F00, v1  }
0x2c: {  	v0 =	vmov s3;
	v1 =	vimm.s32 $0x1;
	v7 =	vor.u32 v7, v8  }
0x2d: {  	v17 =	vand.u32 $0x3F00, v4;
	v16 =	vand.u32 $0x7F, v16;
	v4 =	vshrl.u32 v6, $0x17  }
0x2e: {  	v6 =	vshrl.u32 v6, $0x12;
	v21 =	vand.u32 $0x7F, v10;
	v20 =	vand.u32 $0x7F, v20  }
0x2f: {  	v10 =	vand.u32 $0x3F00, v19;
	v8 =	vshrl.u32 v12, $0x13;
	v6 =	vand.u32 $0x3F00, v6  }
0x30: {  	v18 =	vand.u32 $0x3F00, v18;
	v15 =	vand.u32 $0x7F, v8;
	v6 =	vor.u32 v16, v6  }
0x31: {  	v16 =	vshrl.u32 v5, $0x12;
	[tilespmem:v7+s4+$0x0] =	vst.idx.add.s32.msk $0xffff, v1;
	v7 =	vor.u32 v20, v17;
	v17 =	vand.u32 $0x3F00, v11  }
0x32: {  	s31 =	sadd.s32 s7, s2;
	s7 =	simm.s32 $0xC0;
	v12 =	vshrl.u32 v12, $0x17;
	v11 =	vand.u32 $0x3F00, v16;
	[tilespmem:v14+s5+$0x0] =	vst.idx.add.s32.msk $0xffff, v1;
	v16 =	vor.u32 v15, v17  }
0x33: {  	s2 =	sadd.s32 $0x2400, s31;
	s6 =	simm.s32 $0x0;
	s3 =	sadd.s32 $0x3400, s31;
	v8 =	vshrl.u32 v2, $0x13;
	v15 =	vor.u32 v21, v18;
	v14 =	vshrl.u32 v13, $0x17;
	v13 =	vld [tilespmem:s30+$0x30]  }
.LBB2_2:
0x34: {  	v17 =	vld [tilespmem:s7+$0x0];
	s6 =	sadd.s32 $0x8, s6  }
0x35: {  	v18 =	vld [tilespmem:s7+$0xFFFFFFD0];
	p0 =	slt.u32 s6, $0xF8  }
0x36: {  	v19 =	vld [tilespmem:s7+$0xFFFFFFC0]  }
0x37: {  	[tilespmem:v16+s4+$0x0] =	vst.idx.add.s32.msk $0xffff, v1  }
0x38: {  	v16 =	vld [tilespmem:s7+$0x20];
	v20 =	vshrl.u32 v13, $0x13;
	v21 =	vshrl.u32 v13, $0x12  }
0x39: {  	v8 =	vand.u32 $0x7F, v8;
	[tilespmem:v15+s4+$0x0] =	vst.idx.add.s32.msk $0xffff, v1;
	v15 =	vand.u32 $0x7F, v20;
	v20 =	vand.u32 $0x3F00, v21  }
0x3a: {  	v9 =	vand.u32 $0x7F, v9;
	v8 =	vor.u32 v8, v10;
	[tilespmem:v14+s5+$0x0] =	vst.idx.add.s32.msk $0xffff, v1;
	v10 =	vor.u32 v15, v20  }
0x3b: {  	v9 =	vor.u32 v9, v11;
	v11 =	vshrl.u32 v13, $0x17;
	v14 =	vld [tilespmem:s7+$0x10]  }
0x3c: {  	v13 =	vshrl.u32 v19, $0x13;
	v15 =	vshrl.u32 v19, $0x12;
	[tilespmem:v12+s5+$0x0] =	vst.idx.add.s32.msk $0xffff, v1  }
0x3d: {  	v12 =	vand.u32 $0x7F, v13;
	v13 =	vand.u32 $0x3F00, v15;
	v15 =	vld [tilespmem:s7+$0xFFFFFFE0]  }
0x3e: {  	v12 =	vor.u32 v12, v13;
	v13 =	vld [tilespmem:s7+$0xFFFFFFF0]  }
0x3f: {  	v20 =	vshrl.u32 v5, $0x17;
	[tilespmem:v10+s4+$0x0] =	vst.idx.add.s32.msk $0xffff, v1  }
0x40: {  	v10 =	vshrl.u32 v2, $0x17;
	v2 =	vmov v16;
	[tilespmem:v11+s5+$0x0] =	vst.idx.add.s32.msk $0xffff, v1  }
0x41: {  	v23 =	vshrl.u32 v17, $0x13;
	v16 =	vshrl.u32 v3, $0x17;
	v11 =	vshrl.u32 v17, $0x12;
	[tilespmem:v8+s4+$0x0] =	vst.idx.add.s32.msk $0xffff, v1  }
0x42: {  	v21 =	vand.u32 $0x7F, v23;
	v19 =	vshrl.u32 v19, $0x17;
	v8 =	vshrl.u32 v2, $0x13;
	[tilespmem:v9+s4+$0x0] =	vst.idx.add.s32.msk $0xffff, v1;
	v3 =	vmovc v15  }
0x43: {  	v22 =	vshrl.u32 v14, $0x13;
	v15 =	vshrl.u32 v3, $0x12;
	v9 =	vshrl.u32 v13, $0x13;
	[tilespmem:v7+s4+$0x0] =	vst.idx.add.s32.msk $0xffff, v1;
	v5 =	vmovc v13  }
0x44: {  	v7 =	vshrl.u32 v18, $0x13;
	v13 =	vand.u32 $0x3F00, v15;
	v15 =	vshrl.u32 v14, $0x12;
	[tilespmem:v20+s5+$0x0] =	vst.idx.add.s32.msk $0xffff, v1  }
0x45: {  	v23 =	vshrl.u32 v2, $0x12;
	v7 =	vand.u32 $0x7F, v7;
	v20 =	vshrl.u32 v18, $0x17;
	[tilespmem:v10+s5+$0x0] =	vst.idx.add.s32.msk $0xffff, v1  }
0x46: {  	v22 =	vand.u32 $0x7F, v22;
	v10 =	vshrl.u32 v18, $0x12;
	v18 =	vshrl.u32 v3, $0x13;
	[tilespmem:v6+s4+$0x0] =	vst.idx.add.s32.msk $0xffff, v1  }
.Ltmp1:
0x47: {  	v6 =	vand.u32 $0x3F00, v10;
	v10 =	vand.u32 $0x3F00, v23;
	[tilespmem:v12+s4+$0x0] =	vst.idx.add.s32.msk $0xffff, v1;
	v12 =	vand.u32 $0x7F, v18;
	(pc) =	sbr.rel @p0 .LBB2_2-.Ltmp1, $4  }
0x48: {  	v6 =	vor.u32 v7, v6;
	v7 =	vor.u32 v12, v13;
	[tilespmem:v4+s5+$0x0] =	vst.idx.add.s32.msk $0xffff, v1;
	v4 =	vmov v20  }
0x49: {  	v15 =	vand.u32 $0x3F00, v15;
	v12 =	vshrl.u32 v5, $0x12;
	v13 =	vand.u32 $0x3F00, v11;
	[tilespmem:v16+s5+$0x0] =	vst.idx.add.s32.msk $0xffff, v1  }
0x4a: {  	v15 =	vor.u32 v22, v15;
	v11 =	vand.u32 $0x3F00, v12;
	v16 =	vor.u32 v21, v13;
	[tilespmem:v19+s5+$0x0] =	vst.idx.add.s32.msk $0xffff, v1  }
0x4b: {  	v14 =	vshrl.u32 v14, $0x17;
	v12 =	vshrl.u32 v17, $0x17;
	v13 =	vld [tilespmem:s7+$0x30];
	s7 =	sadd.s32 $0x80, s7  }
0x4c: {  	_ =	sdelay $0x3  }
0x4d: {  	[tilespmem:v16+s4+$0x0] =	vst.idx.add.s32.msk $0xffff, v1  }
0x4e: {  	[tilespmem:v15+s4+$0x0] =	vst.idx.add.s32.msk $0xffff, v1  }
0x4f: {  	v8 =	vand.u32 $0x7F, v8;
	v3 =	vshrl.u32 v3, $0x17;
	[tilespmem:v7+s4+$0x0] =	vst.idx.add.s32.msk $0xffff, v1  }
0x50: {  	v9 =	vand.u32 $0x7F, v9;
	[tilespmem:v6+s4+$0x0] =	vst.idx.add.s32.msk $0xffff, v1;
	v8 =	vor.u32 v8, v10  }
0x51: {  	[tilespmem:v14+s5+$0x0] =	vst.idx.add.s32.msk $0xffff, v1;
	v9 =	vor.u32 v9, v11  }
0x52: {  	v5 =	vshrl.u32 v5, $0x17;
	[tilespmem:v12+s5+$0x0] =	vst.idx.add.s32.msk $0xffff, v1;
	v17 =	vshrl.u32 v13, $0x13;
	v18 =	vshrl.u32 v13, $0x12  }
0x53: {  	v2 =	vshrl.u32 v2, $0x17;
	[tilespmem:v4+s5+$0x0] =	vst.idx.add.s32.msk $0xffff, v1;
	v17 =	vand.u32 $0x7F, v17;
	v18 =	vand.u32 $0x3F00, v18  }
0x54: {  	[tilespmem:v3+s5+$0x0] =	vst.idx.add.s32.msk $0xffff, v1;
	v17 =	vor.u32 v17, v18  }
0x55: {  	v13 =	vshrl.u32 v13, $0x17;
	[tilespmem:v8+s4+$0x0] =	vst.idx.add.s32.msk $0xffff, v1  }
0x56: {  	[tilespmem:v9+s4+$0x0] =	vst.idx.add.s32.msk $0xffff, v1  }
0x57: {  	[tilespmem:v5+s5+$0x0] =	vst.idx.add.s32.msk $0xffff, v1  }
0x58: {  	[tilespmem:v2+s5+$0x0] =	vst.idx.add.s32.msk $0xffff, v1  }
0x59: {  	[tilespmem:v17+s4+$0x0] =	vst.idx.add.s32.msk $0xffff, v1  }
0x5a: {  	s31 =	simm.s32 $0x1070;
	[tilespmem:v13+s5+$0x0] =	vst.idx.add.s32.msk $0xffff, v1  }
0x5b: {  	v5 =	vld [tilespmem:s31+$0xFFFFFFE0]  }
0x5c: {  	v3 =	vld [tilespmem:s31+$0xFFFFFFD0]  }
0x5d: {  	v12 =	vld [tilespmem:s31+$0xFFFFFFB0]  }
0x5e: {  	v4 =	vld [tilespmem:s31+$0xFFFFFFC0]  }
0x5f: {  	v2 =	vld [tilespmem:s31+$0xFFFFFFA0];
	_ =	sdelay $0x2  }
0x60: {  	v1 =	vimm.s32 $0x1;
	v6 =	vshrl.u32 v5, $0x13;
	v7 =	vshrl.u32 v5, $0x12  }
0x61: {  	v9 =	vshrl.u32 v3, $0x12;
	v10 =	vshrl.u32 v4, $0x13;
	v11 =	vshrl.u32 v4, $0x12  }
0x62: {  	v14 =	vshrl.u32 v2, $0x12;
	v62 =	vshrl.u32 v12, $0x13;
	v8 =	vand.u32 $0x7F, v6  }
0x63: {  	v7 =	vand.u32 $0x3F00, v7;
	v10 =	vand.u32 $0x7F, v10;
	v9 =	vand.u32 $0x3F00, v9  }
0x64: {  	v6 =	vld [tilespmem:s31+$0xFFFFFFF0];
	v14 =	vand.u32 $0x3F00, v14;
	v17 =	vand.u32 $0x7F, v62;
	v19 =	vand.u32 $0x3F00, v11  }
0x65: {  	v8 =	vor.u32 v8, v7;
	v7 =	vshrl.u32 v5, $0x17;
	v5 =	vshrl.u32 v12, $0x12  }
0x66: {  	v13 =	vand.u32 $0x3F00, v5;
	v15 =	vor.u32 $0x80, v8;
	v8 =	vshrl.u32 v2, $0x13  }
0x67: {  	v5 =	vshrl.u32 v3, $0x13;
	v8 =	vand.u32 $0x7F, v8;
	v17 =	vor.u32 v17, v13  }
0x68: {  	v8 =	vor.u32 v8, v14;
	v14 =	vand.u32 $0x7F, v5;
	v11 =	vor.u32 $0x80, v17  }
0x69: {  	v61 =	vshrl.u32 v6, $0x13;
	v63 =	vshrl.u32 v6, $0x12;
	v5 =	vor.u32 $0x80, v8;
	v8 =	vld [tilespmem:s31+$0xFFFFFF90]  }
0x6a: {  	s4 =	simm.s32 $0x2000;
	v13 =	vor.u32 v14, v9;
	v9 =	vld [tilespmem:s31+$0x0];
	v18 =	vand.u32 $0x3F00, v63;
	v16 =	vand.u32 $0x7F, v61  }
0x6b: {  	s6 =	simm.s32 $0x100;
	s7 =	simm.s32 $0x10F0;
	s5 =	simm.s32 $0x6000;
	v10 =	vor.u32 v10, v19;
	v12 =	vshrl.u32 v12, $0x17;
	v14 =	vor.u32 v16, v18;
	[tilespmem:v15+s4+$0x0] =	vst.idx.add.s32.msk $0xffff, v1  }
.LBB2_4:
0x6c: {  	v15 =	vld [tilespmem:s7+$0xFFFFFFE0];
	s6 =	sadd.s32 $0x8, s6  }
0x6d: {  	v13 =	vor.u32 $0x80, v13;
	v14 =	vor.u32 $0x80, v14;
	v16 =	vld [tilespmem:s7+$0xFFFFFFA0];
	p0 =	slt.u32 s6, $0x1F8  }
0x6e: {  	v6 =	vshrl.u32 v6, $0x17;
	v17 =	vshrl.u32 v8, $0x13;
	v18 =	vshrl.u32 v8, $0x12;
	[tilespmem:v7+s5+$0x0] =	vst.idx.add.s32.msk $0xffff, v1  }
0x6f: {  	v7 =	vand.u32 $0x7F, v17;
	[tilespmem:v11+s4+$0x0] =	vst.idx.add.s32.msk $0xffff, v1;
	v11 =	vshrl.u32 v9, $0x13;
	v17 =	vshrl.u32 v9, $0x12  }
0x70: {  	v18 =	vand.u32 $0x3F00, v18;
	[tilespmem:v12+s5+$0x0] =	vst.idx.add.s32.msk $0xffff, v1;
	v11 =	vand.u32 $0x7F, v11;
	v12 =	vand.u32 $0x3F00, v17  }
0x71: {  	v7 =	vor.u32 v7, v18;
	v17 =	vld [tilespmem:s7+$0xFFFFFFB0];
	v11 =	vor.u32 v11, v12  }
0x72: {  	v7 =	vor.u32 $0x80, v7;
	[tilespmem:v14+s4+$0x0] =	vst.idx.add.s32.msk $0xffff, v1;
	v11 =	vor.u32 $0x80, v11  }
0x73: {  	v8 =	vshrl.u32 v8, $0x17;
	v9 =	vshrl.u32 v9, $0x17;
	[tilespmem:v6+s5+$0x0] =	vst.idx.add.s32.msk $0xffff, v1  }
0x74: {  	v10 =	vor.u32 $0x80, v10;
	v12 =	vld [tilespmem:s7+$0xFFFFFFD0]  }
0x75: {  	v14 =	vld [tilespmem:s7+$0xFFFFFFC0]  }
0x76: {  	v18 =	vshrl.u32 v2, $0x17;
	v2 =	vmov v16;
	[tilespmem:v13+s4+$0x0] =	vst.idx.add.s32.msk $0xffff, v1  }
0x77: {  	v16 =	vshrl.u32 v4, $0x17;
	v6 =	vshrl.u32 v15, $0x13;
	v13 =	vshrl.u32 v15, $0x12;
	[tilespmem:v7+s4+$0x0] =	vst.idx.add.s32.msk $0xffff, v1  }
0x78: {  	v21 =	vand.u32 $0x7F, v6;
	v7 =	vand.u32 $0x3F00, v13;
	v13 =	vshrl.u32 v3, $0x17;
	v6 =	vld [tilespmem:s7+$0xFFFFFFF0]  }
0x79: {  	v20 =	vor.u32 v21, v7;
	v7 =	vshrl.u32 v15, $0x17;
	v19 =	vshrl.u32 v12, $0x12;
	[tilespmem:v10+s4+$0x0] =	vst.idx.add.s32.msk $0xffff, v1;
	v3 =	vmovc v12  }
0x7a: {  	v10 =	vshrl.u32 v17, $0x12;
	v12 =	vshrl.u32 v14, $0x13;
	v15 =	vshrl.u32 v14, $0x12;
	[tilespmem:v8+s5+$0x0] =	vst.idx.add.s32.msk $0xffff, v1;
	v4 =	vmovc v14  }
0x7b: {  	v20 =	vor.u32 $0x80, v20;
	v10 =	vand.u32 $0x3F00, v10;
	v8 =	vshrl.u32 v3, $0x13;
	[tilespmem:v11+s4+$0x0] =	vst.idx.add.s32.msk $0xffff, v1  }
0x7c: {  	v14 =	vand.u32 $0x3F00, v19;
	v11 =	vshrl.u32 v2, $0x13;
	v12 =	vand.u32 $0x7F, v12;
	[tilespmem:v9+s5+$0x0] =	vst.idx.add.s32.msk $0xffff, v1  }
0x7d: {  	v9 =	vand.u32 $0x7F, v11;
	v11 =	vshrl.u32 v2, $0x12;
	v19 =	vshrl.u32 v6, $0x13;
	[tilespmem:v13+s5+$0x0] =	vst.idx.add.s32.msk $0xffff, v1  }
0x7e: {  	v11 =	vand.u32 $0x3F00, v11;
	v13 =	vshrl.u32 v17, $0x13;
	v21 =	vshrl.u32 v6, $0x12;
	[tilespmem:v5+s4+$0x0] =	vst.idx.add.s32.msk $0xffff, v1  }
.Ltmp2:
0x7f: {  	v5 =	vor.u32 v9, v11;
	v9 =	vand.u32 $0x7F, v8;
	v21 =	vand.u32 $0x3F00, v21;
	[tilespmem:v18+s5+$0x0] =	vst.idx.add.s32.msk $0xffff, v1;
	(pc) =	sbr.rel @p0 .LBB2_4-.Ltmp2, $4  }
0x80: {  	v11 =	vand.u32 $0x7F, v13;
	v5 =	vor.u32 $0x80, v5;
	v18 =	vand.u32 $0x7F, v19;
	[tilespmem:v16+s5+$0x0] =	vst.idx.add.s32.msk $0xffff, v1  }
0x81: {  	v15 =	vand.u32 $0x3F00, v15;
	v10 =	vor.u32 v11, v10;
	v13 =	vor.u32 v9, v14;
	v8 =	vld [tilespmem:s7+$0xFFFFFF90]  }
0x82: {  	v11 =	vor.u32 $0x80, v10;
	v10 =	vor.u32 v12, v15;
	v14 =	vor.u32 v18, v21;
	v9 =	vld [tilespmem:s7+$0x0]  }
0x83: {  	v12 =	vshrl.u32 v17, $0x17;
	s7 =	sadd.s32 $0x80, s7;
	[tilespmem:v20+s4+$0x0] =	vst.idx.add.s32.msk $0xffff, v1  }
0x84: {  	_ =	sdelay $0x2  }
0x85: {  	v14 =	vor.u32 $0x80, v14  }
0x86: {  	v13 =	vor.u32 $0x80, v13;
	[tilespmem:v7+s5+$0x0] =	vst.idx.add.s32.msk $0xffff, v1  }
0x87: {  	[tilespmem:v11+s4+$0x0] =	vst.idx.add.s32.msk $0xffff, v1;
	v10 =	vor.u32 $0x80, v10  }
0x88: {  	v6 =	vshrl.u32 v6, $0x17;
	v2 =	vshrl.u32 v2, $0x17;
	[tilespmem:v5+s4+$0x0] =	vst.idx.add.s32.msk $0xffff, v1  }
0x89: {  	v3 =	vshrl.u32 v3, $0x17;
	[tilespmem:v12+s5+$0x0] =	vst.idx.add.s32.msk $0xffff, v1;
	v15 =	vshrl.u32 v8, $0x13;
	v16 =	vshrl.u32 v8, $0x12  }
0x8a: {  	v4 =	vshrl.u32 v4, $0x17;
	v15 =	vand.u32 $0x7F, v15;
	v16 =	vand.u32 $0x3F00, v16;
	[tilespmem:v14+s4+$0x0] =	vst.idx.add.s32.msk $0xffff, v1  }
0x8b: {  	v59 =	vshrl.u32 v9, $0x13;
	v60 =	vshrl.u32 v9, $0x12;
	v58 =	vor.u32 v15, v16;
	[tilespmem:v13+s4+$0x0] =	vst.idx.add.s32.msk $0xffff, v1  }
0x8c: {  	v11 =	vand.u32 $0x7F, v59;
	v61 =	vand.u32 $0x3F00, v60;
	v7 =	vor.u32 $0x80, v58;
	[tilespmem:v10+s4+$0x0] =	vst.idx.add.s32.msk $0xffff, v1  }
0x8d: {  	v62 =	vshrl.u32 v8, $0x17;
	v11 =	vor.u32 v11, v61;
	[tilespmem:v2+s5+$0x0] =	vst.idx.add.s32.msk $0xffff, v1  }
0x8e: {  	v11 =	vor.u32 $0x80, v11;
	[tilespmem:v6+s5+$0x0] =	vst.idx.add.s32.msk $0xffff, v1  }
0x8f: {  	v63 =	vshrl.u32 v9, $0x17;
	[tilespmem:v3+s5+$0x0] =	vst.idx.add.s32.msk $0xffff, v1  }
0x90: {  	[tilespmem:v4+s5+$0x0] =	vst.idx.add.s32.msk $0xffff, v1  }
0x91: {  	[tilespmem:v7+s4+$0x0] =	vst.idx.add.s32.msk $0xffff, v1  }
0x92: {  	[tilespmem:v62+s5+$0x0] =	vst.idx.add.s32.msk $0xffff, v1  }
0x93: {  	[tilespmem:v11+s4+$0x0] =	vst.idx.add.s32.msk $0xffff, v1  }
0x94: {  	s7 =	simm.s32 $0x0;
	[tilespmem:v63+s5+$0x0] =	vst.idx.add.s32.msk $0xffff, v1  }
0x95: {  	v1 =	vld [tilespmem:s7+$0x6000];
	_ =	sdelay $0x4  }
0x96: {  	(xrf0) =	vadd.scan.msk.s32 $0xffff, v1;
	_ =	sdelay $0x5  }
0x97: {  	v2, _, _ =	vpop (xrf0)  }
0x98: {  	s5 =	simm.s32 $0x0;
	(v2sf) =	vpush v2, $0xF  }
0x99: {  	v1 =	vsub.s32 s5, v1  }
0x9a: {  	v1 =	vadd.s32 v2, v1  }
0x9b: {  	s6 =	simm.s32 $0x80;
	s4 =	simm.s32 $0x10;
	[tilespmem:s7+$0x6000] =	vst v1  }
.LBB2_6:
0x9c: {  	p0 =	sne.s32 s6, $0x7C0;
	v1 =	vld [tilespmem:s4+$0x6000];
	_ =	sdelay $0x4  }
0x9d: {  	(xrf0) =	vadd.scan.msk.s32 $0xffff, v1;
	_ =	sdelay $0x5  }
.Ltmp3:
0x9e: {  	v2, _, _ =	vpop (xrf0);
	s7 =	spop (v2sf);
	(pc) =	sbr.rel @p0 .LBB2_6-.Ltmp3, $4  }
0x9f: {  	(v2sf) =	vpush v2, $0xF;
	s5 =	sadd.s32 s5, s7  }
0xa0: {  	v1 =	vsub.s32 s5, v1  }
0xa1: {  	v1 =	vadd.s32 v2, v1  }
0xa2: {  	[tilespmem:s4+$0x6000] =	vst v1;
	s4 =	sshra.s32 s6, $0x2;
	s6 =	sadd.s32 $0x40, s6  }
0xa3: {  	_ =	sdelay $0x1  }
0xa4: {  	v1 =	vld [tilespmem:s4+$0x6000];
	_ =	sdelay $0x4  }
0xa5: {  	(xrf0) =	vadd.scan.msk.s32 $0xffff, v1;
	_ =	sdelay $0x3  }
0xa6: {  	s6 =	spop (v2sf)  }
0xa7: {  	s16 =	simm.s32 $0x0;
	s5 =	sadd.s32 s5, s6  }
0xa8: {  	s17 =	simm.s32 $0x10;
	s7 =	sand.u32 $0x3F00, s16;
	v2, _, _ =	vpop (xrf0);
	v1 =	vsub.s32 s5, v1  }
0xa9: {  	s8 =	simm.s32 $0x0;
	s7 =	sadd.s32 $0x2000, s7;
	s5 =	sand.u32 $0x70, s17;
	v1 =	vadd.s32 v2, v1  }
0xaa: {  	s8 =	sand.u32 $0x60, s8;
	s11 =	sor.u32 s5, s7;
	[tilespmem:s4+$0x6000] =	vst v1  }
0xab: {  	s19 =	simm.s32 $0x40;
	s9 =	simm.s32 $0x3;
	s5 =	sor.u32 s8, s7;
	v3 =	vld [tilespmem:s11+$0x80]  }
0xac: {  	s18 =	simm.s32 $0x1;
	s20 =	simm.s32 $0x30;
	v6 =	vmov s9;
	s6 =	sand.u32 $0x3F00, s19;
	v12 =	vld [tilespmem:s5+$0x0]  }
0xad: {  	s21 =	simm.s32 $0x20;
	v4 =	vmov s16;
	(v2sf) =	vpush v2, $0xF;
	s6 =	sadd.s32 $0x2000, s6;
	s7 =	sand.u32 $0x70, s20;
	v1 =	vmov s18;
	v15 =	vld [tilespmem:s11+$0x0]  }
0xae: {  	v2 =	vand.u32 $0xFFFFFFFE, v4;
	s8 =	sand.u32 $0x60, s21;
	s7 =	sor.u32 s7, s6;
	v4 =	vld [tilespmem:s5+$0x80]  }
0xaf: {  	v2 =	vbroadcast v2, $0x0;
	s6 =	sor.u32 s8, s6;
	v7 =	vld [tilespmem:s7+$0x80]  }
0xb0: {  	s4 =	simm.s32 $0x6000;
	v16 =	vld [tilespmem:s6+$0x80]  }
0xb1: {  	s22 =	simm.s32 $0x2;
	v17 =	vld.idx.msk [tilespmem:v6+s4+$0x0], $0xffff  }
0xb2: {  	s23 =	simm.s32 $0x80;
	v9 =	vmov s22;
	v5 =	vld.idx.msk [tilespmem:v1+s4+$0x0], $0xffff;
	v8 =	vadd.s32 v15, v3  }
0xb3: {  	s24 =	simm.s32 $0x5;
	s10 =	simm.s32 $0x50;
	s8 =	sand.u32 $0x3F00, s23;
	v1 =	vld [tilespmem:s6+$0x0];
	v10 =	vadd.s32 v12, v4;
	v4 =	vand.u32 $0xFFFFFFFE, v9;
	(xrf0) =	vadd.scan.msk.s32 $0xffff, v8  }
0xb4: {  	s25 =	simm.s32 $0x40;
	s26 =	sand.u32 $0x70, s10;
	s12 =	sadd.s32 $0x2000, s8;
	v3 =	vld [tilespmem:s7+$0x0];
	v9 =	vmov s24;
	v14 =	vbroadcast v4, $0x0;
	(xrf0) =	vadd.scan.msk.s32 $0xffff, v10  }
0xb5: {  	s9 =	sand.u32 $0x60, s25;
	s8 =	sor.u32 s26, s12;
	v13 =	vld.idx.msk [tilespmem:v2+s4+$0x0], $0xffff  }
0xb6: {  	s9 =	sor.u32 s9, s12;
	v11 =	vld [tilespmem:s8+$0x80]  }
0xb7: {  	s28 =	simm.s32 $0x4;
	v2 =	vld [tilespmem:s9+$0x0]  }
0xb8: {  	v4 =	vmov s28;
	v18 =	vsub.s32 v5, v8;
	v5 =	vld [tilespmem:s8+$0x0]  }
0xb9: {  	s13 =	simm.s32 $0xC0;
	s29 =	simm.s32 $0x7;
	v19 =	vand.u32 $0xFFFFFFFE, v4;
	v6 =	vadd.s32 v1, v16;
	v4 =	vld.idx.msk [tilespmem:v9+s4+$0x0], $0xffff;
	v16 =	vadd.s32 v3, v7;
	v20, _, _ =	vpop (xrf0)  }
0xba: {  	s14 =	simm.s32 $0x70;
	s30 =	sand.u32 $0x3F00, s13;
	v8 =	vmov s29;
	v7 =	vsub.s32 v13, v10;
	v10 =	vld.idx.msk [tilespmem:v14+s4+$0x0], $0xffff;
	(xrf0) =	vadd.scan.msk.s32 $0xffff, v16;
	v13, _, _ =	vpop (xrf0)  }
0xbb: {  	s15 =	simm.s32 $0x60;
	s31 =	sand.u32 $0x70, s14;
	s12 =	sadd.s32 $0x2000, s30;
	v9 =	vbroadcast v19, $0x0;
	(xrf0) =	vadd.scan.msk.s32 $0xffff, v6;
	v14 =	vadd.s32 v13, v7;
	v13 =	vld [tilespmem:s9+$0x80]  }
0xbc: {  	s17 =	sand.u32 $0x60, s15;
	s10 =	sor.u32 s31, s12;
	s16 =	spop (v2sf);
	v7 =	vsub.s32 v17, v16;
	v16 =	vadd.s32 v20, v18;
	[tilespmem:s5+$0x0] =	vst v14  }
0xbd: {  	s15 =	simm.s32 $0x8;
	s12 =	sor.u32 s17, s12;
	s16 =	simm.s32 $0x6;
	v14 =	vadd.s32 v12, v14;
	v15 =	vadd.s32 v15, v16;
	v12 =	vld [tilespmem:s10+$0x80];
	[tilespmem:s11+$0x0] =	vst v16  }
.LBB2_8:
0xbe: {  	p0 =	slt.u32 s15, $0x1FE;
	v16 =	vld [tilespmem:s12+$0x0];
	v17 =	vmov s16;
	[tilespmem:s11+$0x80] =	vst v15;
	v15 =	vmov v4;
	v18 =	vmov v5;
	s16 =	smov.u32 s15;
	s15 =	sadd.s32 $0x2, s15  }
0xbf: {  	s13 =	sadd.s32 $0x40, s13;
	v17 =	vand.u32 $0xFFFFFFFE, v17;
	v4 =	vld.idx.msk [tilespmem:v8+s4+$0x0], $0xffff;
	[tilespmem:s5+$0x80] =	vst v14;
	s5 =	smov.u32 s6;
	s6 =	smov.u32 s9  }
.Ltmp4:
0xc0: {  	s14 =	sadd.s32 $0x20, s14;
	s9 =	sadd.s32 $0x1, s16;
	v20 =	vadd.s32 v18, v11;
	v14 =	vsub.s32 v10, v6;
	v5 =	vld [tilespmem:s10+$0x0];
	v6 =	vadd.s32 v2, v13;
	v19, _, _ =	vpop (xrf0);
	(pc) =	sbr.rel @p0 .LBB2_8-.Ltmp4, $4  }
0xc1: {  	s11 =	sadd.s32 $0xFFFFFFF0, s14;
	s17 =	sand.u32 $0x3F00, s13;
	v8 =	vmov s9;
	v15 =	vsub.s32 v15, v20;
	s9 =	smov.u32 s12;
	v10 =	vld.idx.msk [tilespmem:v9+s4+$0x0], $0xffff;
	v9 =	vbroadcast v17, $0x0;
	(xrf0) =	vadd.scan.msk.s32 $0xffff, v20;
	v11, _, _ =	vpop (xrf0)  }
0xc2: {  	s18 =	sand.u32 $0x70, s14;
	s11 =	sand.u32 $0x60, s11;
	s17 =	sadd.s32 $0x2000, s17;
	v17 =	vadd.s32 v19, v7;
	v7 =	vmovc v15;
	v13 =	vld [tilespmem:s9+$0x80];
	(xrf0) =	vadd.scan.msk.s32 $0xffff, v6;
	v14 =	vadd.s32 v11, v14;
	v11 =	vmov v12  }
0xc3: {  	s12 =	sor.u32 s11, s17;
	s17 =	sor.u32 s18, s17;
	s11 =	smov.u32 s7;
	v15 =	vadd.s32 v3, v17;
	[tilespmem:s5+$0x0] =	vst v14;
	v14 =	vadd.s32 v1, v14;
	v1 =	vmovc v2;
	v2 =	vmov v16  }
0xc4: {  	s7 =	smov.u32 s8;
	s8 =	smov.u32 s10;
	v3 =	vmov v18;
	s10 =	smov.u32 s17;
	v12 =	vld [tilespmem:s17+$0x80];
	[tilespmem:s11+$0x0] =	vst v17  }
0xc5: {  	v16 =	vld [tilespmem:s12+$0x0]  }
0xc6: {  	v17 =	vmov s16;
	v18 =	vld [tilespmem:s10+$0x0];
	v11 =	vadd.s32 v5, v11  }
0xc7: {  	v19 =	vld [tilespmem:s12+$0x80];
	v17 =	vand.u32 $0xFFFFFFFE, v17;
	(xrf0) =	vadd.scan.msk.s32 $0xffff, v11;
	v13 =	vadd.s32 v2, v13  }
0xc8: {  	v17 =	vbroadcast v17, $0x0;
	(xrf0) =	vadd.scan.msk.s32 $0xffff, v13  }
0xc9: {  	v9 =	vld.idx.msk [tilespmem:v9+s4+$0x0], $0xffff  }
0xca: {  	[tilespmem:s11+$0x80] =	vst v15  }
0xcb: {  	[tilespmem:s5+$0x80] =	vst v14;
	v6 =	vsub.s32 v10, v6;
	v20, _, _ =	vpop (xrf0);
	v12 =	vadd.s32 v18, v12  }
0xcc: {  	v4 =	vsub.s32 v4, v11;
	v57, _, _ =	vpop (xrf0);
	v7 =	vadd.s32 v20, v7;
	v58 =	vadd.s32 v16, v19;
	(xrf0) =	vadd.scan.msk.s32 $0xffff, v12  }
0xcd: {  	v6 =	vadd.s32 v57, v6;
	v3 =	vadd.s32 v3, v7;
	[tilespmem:s7+$0x0] =	vst v7;
	(xrf0) =	vadd.scan.msk.s32 $0xffff, v58;
	v59, _, _ =	vpop (xrf0)  }
0xce: {  	v1 =	vadd.s32 v1, v6;
	[tilespmem:s7+$0x80] =	vst v3;
	v3 =	vsub.s32 v9, v13;
	v60 =	vld.idx.msk [tilespmem:v17+s4+$0x0], $0xffff;
	v61, _, _ =	vpop (xrf0)  }
0xcf: {  	v8 =	vld.idx.msk [tilespmem:v8+s4+$0x0], $0xffff;
	[tilespmem:s6+$0x80] =	vst v1;
	v1 =	vadd.s32 v61, v3;
	v3 =	vadd.s32 v59, v4  }
0xd0: {  	[tilespmem:s6+$0x0] =	vst v6  }
0xd1: {  	[tilespmem:s9+$0x0] =	vst v1  }
0xd2: {  	v4 =	vadd.s32 v5, v3;
	[tilespmem:s8+$0x0] =	vst v3;
	v3, _, _ =	vpop (xrf0)  }
0xd3: {  	v1 =	vadd.s32 v2, v1;
	[tilespmem:s8+$0x80] =	vst v4;
	v2 =	vsub.s32 v60, v58;
	v62, _, _ =	vpop (xrf0)  }
0xd4: {  	v63 =	vsub.s32 v8, v12;
	[tilespmem:s9+$0x80] =	vst v1;
	v1 =	vadd.s32 v62, v2  }
0xd5: {  	v2 =	vadd.s32 v3, v63;
	[tilespmem:s12+$0x0] =	vst v1  }
0xd6: {  	v3 =	vadd.s32 v18, v2;
	[tilespmem:s10+$0x0] =	vst v2  }
0xd7: {  	s5 =	simm.s32 $0x2000;
	s7 =	simm.s32 $0x8200;
	v1 =	vadd.s32 v16, v1;
	[tilespmem:s10+$0x80] =	vst v3  }
0xd8: {  	s6 =	simm.s32 $0x6200;
	s4 =	simm.s32 $0x0;
	s8 =	simm.s32 $0x0;
	[tilespmem:s12+$0x80] =	vst v1;
	v1 =	vlaneseq.u32  }
.LBB2_10:
0xd9: {  	v2 =	vld [tilespmem:s4+$0x0];
	_ =	sdelay $0x4  }
0xda: {  	v3 =	vshrl.u32 v2, $0x13  }
0xdb: {  	(xrf1) =	vunique.msk.u32 $0xffff, v3;
	_ =	sdelay $0x3  }
0xdc: {  	v4 =	vshrl.u32 v2, $0x12  }
0xdd: {  	v3 =	vand.u32 $0x7F, v3;
	v4 =	vand.u32 $0x3F00, v4  }
0xde: {  	v3 =	vor.u32 v3, v4;
	_ =	sdelay $0x4  }
0xdf: {  	v4 =	vld.idx.msk [tilespmem:v3+s5+$0x0], $0xffff;
	_ =	sdelay $0x2  }
0xe0: {  	_, v5, vm0 =	vpop (xrf1)  }
0xe1: {  	v5 =	vsub.s32 v5, v0  }
0xe2: {  	v4 =	vadd.s32 v4, v5;
	_ =	sdelay $0x4  }
0xe3: {  	s9 =	sadd.s32 $0x1000, s8;
	[tilespmem:v4+s6+$0x0] =	vst.idx.msk $0xffff, v2;
	v2 =	vor.u32 s8, v1  }
0xe4: {  	s11 =	sand.u32 $0x70, s8;
	s10 =	sand.u32 $0x1F80, s9;
	[tilespmem:v4+s7+$0x0] =	vst.idx.msk $0xffff, v2;
	v2 =	vadd.s32 $0x1, v5  }
0xe5: {  	s10 =	sor.u32 s11, s10;
	[tilespmem:v3+s5+$0x0] =	vst.idx.add.s32.msk vm0, v2  }
0xe6: {  	v2 =	vld [tilespmem:s10+$0x0];
	_ =	sdelay $0x4  }
0xe7: {  	v3 =	vshrl.u32 v2, $0x13  }
0xe8: {  	(xrf1) =	vunique.msk.u32 $0xffff, v3;
	_ =	sdelay $0x2  }
0xe9: {  	v61 =	vshrl.u32 v2, $0x12  }
0xea: {  	v3 =	vand.u32 $0x7F, v3;
	v4 =	vand.u32 $0x3F00, v61  }
0xeb: {  	v3 =	vor.u32 v3, v4  }
0xec: {  	v3 =	vor.u32 $0x80, v3;
	_ =	sdelay $0x4  }
0xed: {  	v62 =	vld.idx.msk [tilespmem:v3+s5+$0x0], $0xffff;
	_ =	sdelay $0x2  }
0xee: {  	_, v63, vm15 =	vpop (xrf1)  }
0xef: {  	v5 =	vsub.s32 v63, v0  }
0xf0: {  	v4 =	vadd.s32 v62, v5;
	_ =	sdelay $0x1  }
0xf1: {  	p0 =	sne.s32 s8, $0xFF0  }
.Ltmp5:
0xf2: {  	_ = 	snop;
	(pc) =	sbr.rel @p0 .LBB2_10-.Ltmp5, $4  }
0xf3: {  	_ = 	snop  }
0xf4: {  	[tilespmem:v4+s6+$0x0] =	vst.idx.msk $0xffff, v2;
	v2 =	vor.u32 s9, v1  }
0xf5: {  	[tilespmem:v4+s7+$0x0] =	vst.idx.msk $0xffff, v2;
	v2 =	vadd.s32 $0x1, v5  }
0xf6: {  	s4 =	sadd.s32 $0x10, s4;
	s8 =	sadd.s32 $0x10, s8;
	[tilespmem:v3+s5+$0x0] =	vst.idx.add.s32.msk vm15, v2  }
0xf7: {  	s4 =	simm.s32 $0x80;
	s5 =	simm.s32 $0x200;
	s6 =	simm.s32 $0x6200  }
0xf8: {  	[hbm4b:s2+s4] =	stream.strided.scatter [tilespmem:s6], [sflag:$0x1], $0x2000, s5, s4, $0x38;
	[tilespmem:$0xA200] =	vst v63  }
0xf9: {  	s29 =	simm.s32 $0x8200;
	s30 =	simm.s32 $0x1  }
0xfa: {  	[hbm4b:s3+s4] =	stream.strided.scatter [tilespmem:s29], [sflag:$0x2], $0x2000, s5, s4, $0x38;
	[tilespmem:$0xA200] =	vst v63  }
0xfb: {  	_ =	swait.ge [sflag:s30], $0x2000  }
0xfc: {  	[sflag:s30] =	ssyncset.done $0x0  }
0xfd: {  	s31 =	simm.s32 $0x2;
	[sflag:s30] =	ssyncadd.s32 $0xFFFFE000  }
0xfe: {  	_ =	swait.ge [sflag:s31], $0x2000  }
0xff: {  	[sflag:s31] =	ssyncset.done $0x0  }
0x100: {  	[sflag:s31] =	ssyncadd.s32 $0xFFFFE000  }
.LBB2_12:
0x101: {  	_ =	sfence.sel $0x180000  }
0x102: {  	[bflag:$0x0] =	sbarrier.arrive $0xFFFF  }
0x103: {  	p0 =	sne.s32 s1, $0x0;
	_ =	strace $0x90000047  }
0x104: {  	s0 =	sadd.s32 @!p0 $0x100000, s0;
	[bflag:$0x2] =	sbarrier.arrive $0xFFFF  }
0x105: {  	[sflag:s0] =	ssyncadd.tile.s32 @!p0 $0x1;
	_ =	shalt  }
.Lfunc_end2:
_tile_overlayer_lowered:
.L_overlay_start_2:
0x106: {  	(tag) =	ssettag $0x2  }
0x107: {  	s0 =	rddreg [dreg:$0x0];
	s2 =	stileid.u32  }
0x108: {  	s1 =	rddreg [dreg:$0x1];
	p0 =	sne.s32 s2, $0x0  }
0x109: {  	s3 =	rddreg [dreg:$0x2];
	[bflag:$0x3] =	sbarrier.arrive $0xFFFF;
	s2 =	simm.s32 @!p0 $0x1C04  }
0x10a: {  	[timem:s3], [sflag:s2] =	dma.local @!p0 [hbm:s0], s1  }
0x10b: {  	s0 =	simm.s32 @!p0 $0x4  }
0x10c: {  	_ =	swait.ge @!p0 [sflag:s0], s1  }
0x10d: {  	s1 =	ssub.s32 @!p0 $0x0, s1;
	[sflag:s0] =	ssyncset.done @!p0 $0x0  }
0x10e: {  	[sflag:s0] =	ssyncadd.s32 @!p0 s1  }
0x10f: {  	[bflag:$0x3] =	sbarrier.arrive $0xFFFF  }
0x110: {  	_ =	shalt  }

</sc_bundles>
